<compile_context>
chip_gen: v7x
topology: tpu7x:2x2x1
jax: 0.10.2.dev20260603
libtpu: 0.0.44.dev20260713+nightly
codegen_flags: <defaults>
</compile_context>

<pallas_src>
import functools

import jax
import jax.numpy as jnp
from jax import lax
from jax.experimental import pallas as pl
from jax.experimental.pallas import tpu as pltpu
from jax.experimental.pallas import tpu_sc as plsc

N = 32768
D = 64
K = 1024
DP = 128

NW = 32
BPW = N // NW
CHUNK = 128
ROWS = BPW // CHUNK
GROUP = 128
NGROUP = BPW // GROUP


BB = 4
TB = 1024
STEPS = N // (BB * TB)


def _distance_body(x_ref, e_ref, idx_ref, tab_ref, loss_ref, perp_ref,
                   cnt_ref, acc_ref, xt_ref):
    step = pl.program_id(0)
    e = e_ref[...]
    e2 = jnp.sum(e * e, axis=0, keepdims=True)

    @pl.when(step == 0)
    def _init():
        cnt_ref[...] = jnp.zeros_like(cnt_ref)
        acc_ref[0] = 0.0
        et = jnp.swapaxes(e, 0, 1)
        tab_ref[...] = jnp.concatenate(
            [et, jnp.zeros((K, DP - D), jnp.float32)], axis=1)

    for b in range(BB):
        xt_ref[pl.ds(b * TB, TB), :] = jnp.swapaxes(x_ref[b], 0, 1)
    xall = xt_ref[...]
    sall = jnp.dot(-2.0 * xall, e,
                   preferred_element_type=jnp.float32)
    iota = lax.broadcasted_iota(jnp.int32, (BB * TB, K), 1).astype(jnp.float32)
    x2 = jnp.sum(xall * xall, axis=1, keepdims=True)
    dist = (x2 + sall) + e2
    m = jnp.min(dist, axis=1, keepdims=True)
    ohm = dist == m
    idx = jnp.min(jnp.where(ohm, iota, float(K)), axis=1)
    oh = jnp.where(ohm, 1.0, 0.0)
    cnt_step = jnp.dot(jnp.full((1, BB * TB), 1.0, jnp.float32), oh,
                       preferred_element_type=jnp.float32)
    part = jnp.sum(m)
    cnt_ref[...] += cnt_step
    acc_ref[0] += part
    idx_ref[...] = idx.astype(jnp.int32).reshape(BB * TB // CHUNK, CHUNK)

    @pl.when(step == STEPS - 1)
    def _finish():
        loss_ref[...] = jnp.full((1, 1), acc_ref[0] / (N * D), jnp.float32)
        p = cnt_ref[...] * (1.0 / N)
        ent = jnp.sum(p * jnp.log(p + 1e-10))
        perp_ref[...] = jnp.full((1, 1), jnp.exp(-ent), jnp.float32)


def _distance_call(xt, e):
    steps = STEPS
    return pl.pallas_call(
        _distance_body,
        grid=(steps,),
        in_specs=[
            pl.BlockSpec((BB, D, TB), lambda i: (i, 0, 0)),
            pl.BlockSpec((D, K), lambda i: (0, 0)),
        ],
        out_specs=[
            pl.BlockSpec((BB * TB // CHUNK, CHUNK), lambda i: (i, 0)),
            pl.BlockSpec((K, DP), lambda i: (0, 0)),
            pl.BlockSpec((1, 1), lambda i: (0, 0)),
            pl.BlockSpec((1, 1), lambda i: (0, 0)),
        ],
        out_shape=[
            jax.ShapeDtypeStruct((N // CHUNK, CHUNK), jnp.int32),
            jax.ShapeDtypeStruct((K, DP), jnp.float32),
            jax.ShapeDtypeStruct((1, 1), jnp.float32),
            jax.ShapeDtypeStruct((1, 1), jnp.float32),
        ],
        scratch_shapes=[
            pltpu.VMEM((1, K), jnp.float32),
            pltpu.SMEM((1,), jnp.float32),
            pltpu.VMEM((BB * TB, D), jnp.float32),
        ],
    )(xt, e)


def _make_sc_gather():
    mesh = plsc.VectorSubcoreMesh(core_axis_name="c", subcore_axis_name="s")

    @functools.partial(
        pl.kernel,
        mesh=mesh,
        out_type=jax.ShapeDtypeStruct((N, DP), jnp.float32),
        scratch_types=[
            pltpu.VMEM((ROWS, CHUNK), jnp.int32),
            pltpu.VMEM((GROUP, DP), jnp.float32),
            pltpu.VMEM((GROUP, DP), jnp.float32),
            pltpu.VMEM((GROUP, DP), jnp.float32),
            pltpu.SemaphoreType.DMA,
            pltpu.SemaphoreType.DMA,
        ],
    )
    def gather_kernel(table_hbm, idx_hbm, out_hbm, idx_v, buf0, buf1, buf2,
                      gsem, osem):
        wid = lax.axis_index("s") * 2 + lax.axis_index("c")
        base = wid * BPW
        pltpu.sync_copy(idx_hbm.at[pl.ds(wid * ROWS, ROWS)], idx_v)
        bufs = [buf0, buf1, buf2]

        def start_gather(g):
            return pltpu.async_copy(
                table_hbm.at[idx_v.at[g]], bufs[g % 3], gsem)

        out_copies = [None] * NGROUP
        pending = start_gather(0)
        for g in range(NGROUP):
            pending.wait()
            if g + 1 < NGROUP:
                pending = start_gather(g + 1)
            if g >= 3:
                out_copies[g - 3].wait()
            out_copies[g] = pltpu.async_copy(
                bufs[g % 3],
                out_hbm.at[pl.ds(base + g * GROUP, GROUP)],
                osem,
            )
        for g in range(NGROUP - 3, NGROUP):
            out_copies[g].wait()

    return gather_kernel


_sc_gather_cache = []


def _sc_gather(table, idx2):
    if not _sc_gather_cache:
        _sc_gather_cache.append(_make_sc_gather())
    return _sc_gather_cache[0](table, idx2)


def kernel(inpt, emb_mtrx):
    xt = jnp.swapaxes(inpt, 1, 2)
    idx2, table, loss, perp = _distance_call(xt, emb_mtrx)
    q128 = _sc_gather(table, idx2)
    q = q128.reshape(32, TB, DP)[:, :, :D]
    return (q, loss[0, 0], perp[0, 0])

# --- scband reference (transcript-rebuilt; emitter-appended) ---
"""Pipeline reference for scband-quantizer-ema-18485539242753 (READ-ONLY COPY).

The authoritative reference and input builder live on the scoring server;
editing this copy changes nothing except your own understanding.
"""

import jax, jax.numpy as jnp
import numpy as np


def setup_inputs(seed: int = 0) -> dict:
    key = jax.random.key(seed)
    k1, k2 = jax.random.split(key)
    inpt = jax.random.normal(k1, (32, 1024, 64), dtype=jnp.float32)
    # emb_mtrx has shape (input_dim, nr_emb) = (64, 1024), matching the Keras layer's build()
    emb_mtrx = jax.random.normal(k2, (64, 1024), dtype=jnp.float32) * 0.05
    return {"inpt": inpt, "emb_mtrx": emb_mtrx}


def reference(inpt, emb_mtrx):
    nr_emb = emb_mtrx.shape[1]
    commitment_weight = 1.0
    # flatten to [N, d]
    x = inpt.reshape(-1, inpt.shape[-1])
    # squared L2 distance to each codebook vector
    dist = (jnp.sum(x ** 2, axis=1, keepdims=True)
            - 2.0 * jnp.matmul(x, emb_mtrx)
            + jnp.sum(emb_mtrx ** 2, axis=0, keepdims=True))
    idx = jnp.argmax(-dist, axis=1)
    idx_oh = jax.nn.one_hot(idx, nr_emb, dtype=jnp.float32)
    # reshape idx back to leading dims of inpt and gather codes (embedding lookup)
    idx_r = idx.reshape(inpt.shape[:-1])
    q = jnp.take(jnp.transpose(emb_mtrx, (1, 0)), idx_r, axis=0)
    l_commitment = jnp.mean((jax.lax.stop_gradient(q) - inpt) ** 2)
    loss = commitment_weight * l_commitment
    # straight-through estimator
    q = inpt + jax.lax.stop_gradient(q - inpt)
    avg_probs = jnp.mean(idx_oh, axis=0)
    perplexity = jnp.exp(-jnp.sum(avg_probs * jnp.log(avg_probs + 1e-10)))
    return (q, loss, perplexity)

if __name__ == "__main__":
    import jax
    _d = setup_inputs()
    print(jax.jit(kernel)(*tuple(_d.values())))

</pallas_src>

<mosaic_0001>
#map = affine_map<(d0, d1) -> (0, 0)>
module attributes {stable_mosaic.version = 14 : i64} {
  func.func @gather_kernel(%arg0: i32, %arg1: i32, %arg2: memref<1024x128xf32, #tpu.memory_space<hbm>>, %arg3: memref<256x128xi32, #tpu.memory_space<hbm>>, %arg4: memref<32768x128xf32, #tpu.memory_space<hbm>>, %arg5: memref<8x128xi32, #tpu.memory_space<vmem>>, %arg6: memref<128x128xf32, #tpu.memory_space<vmem>>, %arg7: memref<128x128xf32, #tpu.memory_space<vmem>>, %arg8: memref<128x128xf32, #tpu.memory_space<vmem>>, %arg9: memref<!tpu.dma_semaphore, #tpu.memory_space<semaphore_mem>>, %arg10: memref<!tpu.dma_semaphore, #tpu.memory_space<semaphore_mem>>) attributes {dimension_semantics = [#tpu.dimension_semantics<core_parallel>, #tpu.dimension_semantics<subcore_parallel>], iteration_bounds = array<i64: 2, 16>, scalar_prefetch = 0 : i64, scratch_operands = 6 : i64, tpu.core_type = #tpu.core_type<sc_vector_subcore>, window_params = [{transform_indices = #map}, {transform_indices = #map}, {transform_indices = #map}]} {
    %mul3A = arith.constant 2 : i32
    %mul3A_0 = arith.muli %arg1, %mul3A : i32
    %add3A = arith.addi %mul3A_0, %arg0 : i32
    %mul3A_1 = arith.constant 1024 : i32
    %mul3A_2 = arith.muli %add3A, %mul3A_1 : i32
    %mul3A_3 = arith.constant 8 : i32
    %mul3A_4 = arith.muli %add3A, %mul3A_3 : i32
    "tpu.region"() ({
      %run_scoped3A = tpu.sem_alloc : memref<!tpu.dma_semaphore, #tpu.memory_space<semaphore_mem>>
      %dma_start3A_195 = arith.constant 0 : i32
      %dma_start3A_196 = tpu.memref_slice %arg3[%mul3A_4, %dma_start3A_195] : memref<256x128xi32, #tpu.memory_space<hbm>> -> memref<8x128xi32, #tpu.memory_space<hbm>>
      %dma_start3A_197 = arith.constant 0 : i32
      %dma_start3A_198 = tpu.memref_slice %arg3[%mul3A_4, %dma_start3A_197] : memref<256x128xi32, #tpu.memory_space<hbm>> -> memref<8x128xi32, #tpu.memory_space<hbm>>
      tpu.enqueue_dma source(%dma_start3A_198 : memref<8x128xi32, #tpu.memory_space<hbm>>) target(%arg5 : memref<8x128xi32, #tpu.memory_space<vmem>>) target_semaphore(%run_scoped3A : memref<!tpu.dma_semaphore, #tpu.memory_space<semaphore_mem>>)
      %dma_wait3A_199 = arith.constant 0 : i32
      %dma_wait3A_200 = tpu.memref_slice %arg3[%mul3A_4, %dma_wait3A_199] : memref<256x128xi32, #tpu.memory_space<hbm>> -> memref<8x128xi32, #tpu.memory_space<hbm>>
      %dma_wait3A_201 = arith.constant 0 : i32
      %dma_wait3A_202 = tpu.memref_slice %arg3[%mul3A_4, %dma_wait3A_201] : memref<256x128xi32, #tpu.memory_space<hbm>> -> memref<8x128xi32, #tpu.memory_space<hbm>>
      tpu.wait_dma2 semaphore(%run_scoped3A : memref<!tpu.dma_semaphore, #tpu.memory_space<semaphore_mem>>) src(%dma_wait3A_202 : memref<8x128xi32, #tpu.memory_space<hbm>>) dst(%arg5 : memref<8x128xi32, #tpu.memory_space<vmem>>)
      tpu.yield
    }) : () -> ()
    %dma_start3A = arith.constant 0 : i32
    %dma_start3A_5 = arith.constant 0 : i32
    %dma_start3A_6 = tpu.memref_slice %arg5[%dma_start3A, %dma_start3A_5] : memref<8x128xi32, #tpu.memory_space<vmem>> -> memref<1x128xi32, #tpu.memory_space<vmem>>
    %dma_start3A_7 = tpu.memref_squeeze %dma_start3A_6 : memref<1x128xi32, #tpu.memory_space<vmem>> -> memref<128xi32, #tpu.memory_space<vmem>>
    %dma_start3A_8 = arith.constant 0 : i32
    %dma_start3A_9 = arith.constant 0 : i32
    %dma_start3A_10 = tpu.memref_slice %arg2[%dma_start3A_8, %dma_start3A_9] : memref<1024x128xf32, #tpu.memory_space<hbm>> -> memref<1024x128xf32, #tpu.memory_space<hbm>>
    tpu.enqueue_indirect_dma source(%dma_start3A_10 : memref<1024x128xf32, #tpu.memory_space<hbm>>) target(%arg6 : memref<128x128xf32, #tpu.memory_space<vmem>>) offsets(%dma_start3A_7 : memref<128xi32, #tpu.memory_space<vmem>>) semaphore(%arg9 : memref<!tpu.dma_semaphore, #tpu.memory_space<semaphore_mem>>)
    %dma_wait3A = arith.constant 0 : i32
    %dma_wait3A_11 = arith.constant 0 : i32
    %dma_wait3A_12 = tpu.memref_slice %arg5[%dma_wait3A, %dma_wait3A_11] : memref<8x128xi32, #tpu.memory_space<vmem>> -> memref<1x128xi32, #tpu.memory_space<vmem>>
    %dma_wait3A_13 = tpu.memref_squeeze %dma_wait3A_12 : memref<1x128xi32, #tpu.memory_space<vmem>> -> memref<128xi32, #tpu.memory_space<vmem>>
    %dma_wait3A_14 = arith.constant 0 : i32
    %dma_wait3A_15 = arith.constant 0 : i32
    %dma_wait3A_16 = tpu.memref_slice %arg2[%dma_wait3A_14, %dma_wait3A_15] : memref<1024x128xf32, #tpu.memory_space<hbm>> -> memref<1024x128xf32, #tpu.memory_space<hbm>>
    tpu.wait_indirect_dma semaphore(%arg9 : memref<!tpu.dma_semaphore, #tpu.memory_space<semaphore_mem>>) src(%dma_wait3A_16 : memref<1024x128xf32, #tpu.memory_space<hbm>>) dst(%arg6 : memref<128x128xf32, #tpu.memory_space<vmem>>)
    %dma_start3A_17 = arith.constant 1 : i32
    %dma_start3A_18 = arith.constant 0 : i32
    %dma_start3A_19 = tpu.memref_slice %arg5[%dma_start3A_17, %dma_start3A_18] : memref<8x128xi32, #tpu.memory_space<vmem>> -> memref<1x128xi32, #tpu.memory_space<vmem>>
    %dma_start3A_20 = tpu.memref_squeeze %dma_start3A_19 : memref<1x128xi32, #tpu.memory_space<vmem>> -> memref<128xi32, #tpu.memory_space<vmem>>
    %dma_start3A_21 = arith.constant 0 : i32
    %dma_start3A_22 = arith.constant 0 : i32
    %dma_start3A_23 = tpu.memref_slice %arg2[%dma_start3A_21, %dma_start3A_22] : memref<1024x128xf32, #tpu.memory_space<hbm>> -> memref<1024x128xf32, #tpu.memory_space<hbm>>
    tpu.enqueue_indirect_dma source(%dma_start3A_23 : memref<1024x128xf32, #tpu.memory_space<hbm>>) target(%arg7 : memref<128x128xf32, #tpu.memory_space<vmem>>) offsets(%dma_start3A_20 : memref<128xi32, #tpu.memory_space<vmem>>) semaphore(%arg9 : memref<!tpu.dma_semaphore, #tpu.memory_space<semaphore_mem>>)
    %add3A_24 = arith.constant 0 : i32
    %add3A_25 = arith.addi %mul3A_2, %add3A_24 : i32
    %dma_start3A_26 = arith.constant 0 : i32
    %dma_start3A_27 = tpu.memref_slice %arg4[%add3A_25, %dma_start3A_26] : memref<32768x128xf32, #tpu.memory_space<hbm>> -> memref<128x128xf32, #tpu.memory_space<hbm>>
    %dma_start3A_28 = arith.constant 0 : i32
    %dma_start3A_29 = tpu.memref_slice %arg4[%add3A_25, %dma_start3A_28] : memref<32768x128xf32, #tpu.memory_space<hbm>> -> memref<128x128xf32, #tpu.memory_space<hbm>>
    tpu.enqueue_dma source(%arg6 : memref<128x128xf32, #tpu.memory_space<vmem>>) target(%dma_start3A_29 : memref<128x128xf32, #tpu.memory_space<hbm>>) target_semaphore(%arg10 : memref<!tpu.dma_semaphore, #tpu.memory_space<semaphore_mem>>)
    %dma_wait3A_30 = arith.constant 1 : i32
    %dma_wait3A_31 = arith.constant 0 : i32
    %dma_wait3A_32 = tpu.memref_slice %arg5[%dma_wait3A_30, %dma_wait3A_31] : memref<8x128xi32, #tpu.memory_space<vmem>> -> memref<1x128xi32, #tpu.memory_space<vmem>>
    %dma_wait3A_33 = tpu.memref_squeeze %dma_wait3A_32 : memref<1x128xi32, #tpu.memory_space<vmem>> -> memref<128xi32, #tpu.memory_space<vmem>>
    %dma_wait3A_34 = arith.constant 0 : i32
    %dma_wait3A_35 = arith.constant 0 : i32
    %dma_wait3A_36 = tpu.memref_slice %arg2[%dma_wait3A_34, %dma_wait3A_35] : memref<1024x128xf32, #tpu.memory_space<hbm>> -> memref<1024x128xf32, #tpu.memory_space<hbm>>
    tpu.wait_indirect_dma semaphore(%arg9 : memref<!tpu.dma_semaphore, #tpu.memory_space<semaphore_mem>>) src(%dma_wait3A_36 : memref<1024x128xf32, #tpu.memory_space<hbm>>) dst(%arg7 : memref<128x128xf32, #tpu.memory_space<vmem>>)
    %dma_start3A_37 = arith.constant 2 : i32
    %dma_start3A_38 = arith.constant 0 : i32
    %dma_start3A_39 = tpu.memref_slice %arg5[%dma_start3A_37, %dma_start3A_38] : memref<8x128xi32, #tpu.memory_space<vmem>> -> memref<1x128xi32, #tpu.memory_space<vmem>>
    %dma_start3A_40 = tpu.memref_squeeze %dma_start3A_39 : memref<1x128xi32, #tpu.memory_space<vmem>> -> memref<128xi32, #tpu.memory_space<vmem>>
    %dma_start3A_41 = arith.constant 0 : i32
    %dma_start3A_42 = arith.constant 0 : i32
    %dma_start3A_43 = tpu.memref_slice %arg2[%dma_start3A_41, %dma_start3A_42] : memref<1024x128xf32, #tpu.memory_space<hbm>> -> memref<1024x128xf32, #tpu.memory_space<hbm>>
    tpu.enqueue_indirect_dma source(%dma_start3A_43 : memref<1024x128xf32, #tpu.memory_space<hbm>>) target(%arg8 : memref<128x128xf32, #tpu.memory_space<vmem>>) offsets(%dma_start3A_40 : memref<128xi32, #tpu.memory_space<vmem>>) semaphore(%arg9 : memref<!tpu.dma_semaphore, #tpu.memory_space<semaphore_mem>>)
    %add3A_44 = arith.constant 128 : i32
    %add3A_45 = arith.addi %mul3A_2, %add3A_44 : i32
    %dma_start3A_46 = arith.constant 0 : i32
    %dma_start3A_47 = tpu.memref_slice %arg4[%add3A_45, %dma_start3A_46] : memref<32768x128xf32, #tpu.memory_space<hbm>> -> memref<128x128xf32, #tpu.memory_space<hbm>>
    %dma_start3A_48 = arith.constant 0 : i32
    %dma_start3A_49 = tpu.memref_slice %arg4[%add3A_45, %dma_start3A_48] : memref<32768x128xf32, #tpu.memory_space<hbm>> -> memref<128x128xf32, #tpu.memory_space<hbm>>
    tpu.enqueue_dma source(%arg7 : memref<128x128xf32, #tpu.memory_space<vmem>>) target(%dma_start3A_49 : memref<128x128xf32, #tpu.memory_space<hbm>>) target_semaphore(%arg10 : memref<!tpu.dma_semaphore, #tpu.memory_space<semaphore_mem>>)
    %dma_wait3A_50 = arith.constant 2 : i32
    %dma_wait3A_51 = arith.constant 0 : i32
    %dma_wait3A_52 = tpu.memref_slice %arg5[%dma_wait3A_50, %dma_wait3A_51] : memref<8x128xi32, #tpu.memory_space<vmem>> -> memref<1x128xi32, #tpu.memory_space<vmem>>
    %dma_wait3A_53 = tpu.memref_squeeze %dma_wait3A_52 : memref<1x128xi32, #tpu.memory_space<vmem>> -> memref<128xi32, #tpu.memory_space<vmem>>
    %dma_wait3A_54 = arith.constant 0 : i32
    %dma_wait3A_55 = arith.constant 0 : i32
    %dma_wait3A_56 = tpu.memref_slice %arg2[%dma_wait3A_54, %dma_wait3A_55] : memref<1024x128xf32, #tpu.memory_space<hbm>> -> memref<1024x128xf32, #tpu.memory_space<hbm>>
    tpu.wait_indirect_dma semaphore(%arg9 : memref<!tpu.dma_semaphore, #tpu.memory_space<semaphore_mem>>) src(%dma_wait3A_56 : memref<1024x128xf32, #tpu.memory_space<hbm>>) dst(%arg8 : memref<128x128xf32, #tpu.memory_space<vmem>>)
    %dma_start3A_57 = arith.constant 3 : i32
    %dma_start3A_58 = arith.constant 0 : i32
    %dma_start3A_59 = tpu.memref_slice %arg5[%dma_start3A_57, %dma_start3A_58] : memref<8x128xi32, #tpu.memory_space<vmem>> -> memref<1x128xi32, #tpu.memory_space<vmem>>
    %dma_start3A_60 = tpu.memref_squeeze %dma_start3A_59 : memref<1x128xi32, #tpu.memory_space<vmem>> -> memref<128xi32, #tpu.memory_space<vmem>>
    %dma_start3A_61 = arith.constant 0 : i32
    %dma_start3A_62 = arith.constant 0 : i32
    %dma_start3A_63 = tpu.memref_slice %arg2[%dma_start3A_61, %dma_start3A_62] : memref<1024x128xf32, #tpu.memory_space<hbm>> -> memref<1024x128xf32, #tpu.memory_space<hbm>>
    tpu.enqueue_indirect_dma source(%dma_start3A_63 : memref<1024x128xf32, #tpu.memory_space<hbm>>) target(%arg6 : memref<128x128xf32, #tpu.memory_space<vmem>>) offsets(%dma_start3A_60 : memref<128xi32, #tpu.memory_space<vmem>>) semaphore(%arg9 : memref<!tpu.dma_semaphore, #tpu.memory_space<semaphore_mem>>)
    %add3A_64 = arith.constant 256 : i32
    %add3A_65 = arith.addi %mul3A_2, %add3A_64 : i32
    %dma_start3A_66 = arith.constant 0 : i32
    %dma_start3A_67 = tpu.memref_slice %arg4[%add3A_65, %dma_start3A_66] : memref<32768x128xf32, #tpu.memory_space<hbm>> -> memref<128x128xf32, #tpu.memory_space<hbm>>
    %dma_start3A_68 = arith.constant 0 : i32
    %dma_start3A_69 = tpu.memref_slice %arg4[%add3A_65, %dma_start3A_68] : memref<32768x128xf32, #tpu.memory_space<hbm>> -> memref<128x128xf32, #tpu.memory_space<hbm>>
    tpu.enqueue_dma source(%arg8 : memref<128x128xf32, #tpu.memory_space<vmem>>) target(%dma_start3A_69 : memref<128x128xf32, #tpu.memory_space<hbm>>) target_semaphore(%arg10 : memref<!tpu.dma_semaphore, #tpu.memory_space<semaphore_mem>>)
    %dma_wait3A_70 = arith.constant 3 : i32
    %dma_wait3A_71 = arith.constant 0 : i32
    %dma_wait3A_72 = tpu.memref_slice %arg5[%dma_wait3A_70, %dma_wait3A_71] : memref<8x128xi32, #tpu.memory_space<vmem>> -> memref<1x128xi32, #tpu.memory_space<vmem>>
    %dma_wait3A_73 = tpu.memref_squeeze %dma_wait3A_72 : memref<1x128xi32, #tpu.memory_space<vmem>> -> memref<128xi32, #tpu.memory_space<vmem>>
    %dma_wait3A_74 = arith.constant 0 : i32
    %dma_wait3A_75 = arith.constant 0 : i32
    %dma_wait3A_76 = tpu.memref_slice %arg2[%dma_wait3A_74, %dma_wait3A_75] : memref<1024x128xf32, #tpu.memory_space<hbm>> -> memref<1024x128xf32, #tpu.memory_space<hbm>>
    tpu.wait_indirect_dma semaphore(%arg9 : memref<!tpu.dma_semaphore, #tpu.memory_space<semaphore_mem>>) src(%dma_wait3A_76 : memref<1024x128xf32, #tpu.memory_space<hbm>>) dst(%arg6 : memref<128x128xf32, #tpu.memory_space<vmem>>)
    %dma_start3A_77 = arith.constant 4 : i32
    %dma_start3A_78 = arith.constant 0 : i32
    %dma_start3A_79 = tpu.memref_slice %arg5[%dma_start3A_77, %dma_start3A_78] : memref<8x128xi32, #tpu.memory_space<vmem>> -> memref<1x128xi32, #tpu.memory_space<vmem>>
    %dma_start3A_80 = tpu.memref_squeeze %dma_start3A_79 : memref<1x128xi32, #tpu.memory_space<vmem>> -> memref<128xi32, #tpu.memory_space<vmem>>
    %dma_start3A_81 = arith.constant 0 : i32
    %dma_start3A_82 = arith.constant 0 : i32
    %dma_start3A_83 = tpu.memref_slice %arg2[%dma_start3A_81, %dma_start3A_82] : memref<1024x128xf32, #tpu.memory_space<hbm>> -> memref<1024x128xf32, #tpu.memory_space<hbm>>
    tpu.enqueue_indirect_dma source(%dma_start3A_83 : memref<1024x128xf32, #tpu.memory_space<hbm>>) target(%arg7 : memref<128x128xf32, #tpu.memory_space<vmem>>) offsets(%dma_start3A_80 : memref<128xi32, #tpu.memory_space<vmem>>) semaphore(%arg9 : memref<!tpu.dma_semaphore, #tpu.memory_space<semaphore_mem>>)
    %dma_wait3A_84 = arith.constant 0 : i32
    %dma_wait3A_85 = tpu.memref_slice %arg4[%add3A_25, %dma_wait3A_84] : memref<32768x128xf32, #tpu.memory_space<hbm>> -> memref<128x128xf32, #tpu.memory_space<hbm>>
    %dma_wait3A_86 = arith.constant 0 : i32
    %dma_wait3A_87 = tpu.memref_slice %arg4[%add3A_25, %dma_wait3A_86] : memref<32768x128xf32, #tpu.memory_space<hbm>> -> memref<128x128xf32, #tpu.memory_space<hbm>>
    tpu.wait_dma2 semaphore(%arg10 : memref<!tpu.dma_semaphore, #tpu.memory_space<semaphore_mem>>) src(%arg6 : memref<128x128xf32, #tpu.memory_space<vmem>>) dst(%dma_wait3A_87 : memref<128x128xf32, #tpu.memory_space<hbm>>)
    %add3A_88 = arith.constant 384 : i32
    %add3A_89 = arith.addi %mul3A_2, %add3A_88 : i32
    %dma_start3A_90 = arith.constant 0 : i32
    %dma_start3A_91 = tpu.memref_slice %arg4[%add3A_89, %dma_start3A_90] : memref<32768x128xf32, #tpu.memory_space<hbm>> -> memref<128x128xf32, #tpu.memory_space<hbm>>
    %dma_start3A_92 = arith.constant 0 : i32
    %dma_start3A_93 = tpu.memref_slice %arg4[%add3A_89, %dma_start3A_92] : memref<32768x128xf32, #tpu.memory_space<hbm>> -> memref<128x128xf32, #tpu.memory_space<hbm>>
    tpu.enqueue_dma source(%arg6 : memref<128x128xf32, #tpu.memory_space<vmem>>) target(%dma_start3A_93 : memref<128x128xf32, #tpu.memory_space<hbm>>) target_semaphore(%arg10 : memref<!tpu.dma_semaphore, #tpu.memory_space<semaphore_mem>>)
    %dma_wait3A_94 = arith.constant 4 : i32
    %dma_wait3A_95 = arith.constant 0 : i32
    %dma_wait3A_96 = tpu.memref_slice %arg5[%dma_wait3A_94, %dma_wait3A_95] : memref<8x128xi32, #tpu.memory_space<vmem>> -> memref<1x128xi32, #tpu.memory_space<vmem>>
    %dma_wait3A_97 = tpu.memref_squeeze %dma_wait3A_96 : memref<1x128xi32, #tpu.memory_space<vmem>> -> memref<128xi32, #tpu.memory_space<vmem>>
    %dma_wait3A_98 = arith.constant 0 : i32
    %dma_wait3A_99 = arith.constant 0 : i32
    %dma_wait3A_100 = tpu.memref_slice %arg2[%dma_wait3A_98, %dma_wait3A_99] : memref<1024x128xf32, #tpu.memory_space<hbm>> -> memref<1024x128xf32, #tpu.memory_space<hbm>>
    tpu.wait_indirect_dma semaphore(%arg9 : memref<!tpu.dma_semaphore, #tpu.memory_space<semaphore_mem>>) src(%dma_wait3A_100 : memref<1024x128xf32, #tpu.memory_space<hbm>>) dst(%arg7 : memref<128x128xf32, #tpu.memory_space<vmem>>)
    %dma_start3A_101 = arith.constant 5 : i32
    %dma_start3A_102 = arith.constant 0 : i32
    %dma_start3A_103 = tpu.memref_slice %arg5[%dma_start3A_101, %dma_start3A_102] : memref<8x128xi32, #tpu.memory_space<vmem>> -> memref<1x128xi32, #tpu.memory_space<vmem>>
    %dma_start3A_104 = tpu.memref_squeeze %dma_start3A_103 : memref<1x128xi32, #tpu.memory_space<vmem>> -> memref<128xi32, #tpu.memory_space<vmem>>
    %dma_start3A_105 = arith.constant 0 : i32
    %dma_start3A_106 = arith.constant 0 : i32
    %dma_start3A_107 = tpu.memref_slice %arg2[%dma_start3A_105, %dma_start3A_106] : memref<1024x128xf32, #tpu.memory_space<hbm>> -> memref<1024x128xf32, #tpu.memory_space<hbm>>
    tpu.enqueue_indirect_dma source(%dma_start3A_107 : memref<1024x128xf32, #tpu.memory_space<hbm>>) target(%arg8 : memref<128x128xf32, #tpu.memory_space<vmem>>) offsets(%dma_start3A_104 : memref<128xi32, #tpu.memory_space<vmem>>) semaphore(%arg9 : memref<!tpu.dma_semaphore, #tpu.memory_space<semaphore_mem>>)
    %dma_wait3A_108 = arith.constant 0 : i32
    %dma_wait3A_109 = tpu.memref_slice %arg4[%add3A_45, %dma_wait3A_108] : memref<32768x128xf32, #tpu.memory_space<hbm>> -> memref<128x128xf32, #tpu.memory_space<hbm>>
    %dma_wait3A_110 = arith.constant 0 : i32
    %dma_wait3A_111 = tpu.memref_slice %arg4[%add3A_45, %dma_wait3A_110] : memref<32768x128xf32, #tpu.memory_space<hbm>> -> memref<128x128xf32, #tpu.memory_space<hbm>>
    tpu.wait_dma2 semaphore(%arg10 : memref<!tpu.dma_semaphore, #tpu.memory_space<semaphore_mem>>) src(%arg7 : memref<128x128xf32, #tpu.memory_space<vmem>>) dst(%dma_wait3A_111 : memref<128x128xf32, #tpu.memory_space<hbm>>)
    %add3A_112 = arith.constant 512 : i32
    %add3A_113 = arith.addi %mul3A_2, %add3A_112 : i32
    %dma_start3A_114 = arith.constant 0 : i32
    %dma_start3A_115 = tpu.memref_slice %arg4[%add3A_113, %dma_start3A_114] : memref<32768x128xf32, #tpu.memory_space<hbm>> -> memref<128x128xf32, #tpu.memory_space<hbm>>
    %dma_start3A_116 = arith.constant 0 : i32
    %dma_start3A_117 = tpu.memref_slice %arg4[%add3A_113, %dma_start3A_116] : memref<32768x128xf32, #tpu.memory_space<hbm>> -> memref<128x128xf32, #tpu.memory_space<hbm>>
    tpu.enqueue_dma source(%arg7 : memref<128x128xf32, #tpu.memory_space<vmem>>) target(%dma_start3A_117 : memref<128x128xf32, #tpu.memory_space<hbm>>) target_semaphore(%arg10 : memref<!tpu.dma_semaphore, #tpu.memory_space<semaphore_mem>>)
    %dma_wait3A_118 = arith.constant 5 : i32
    %dma_wait3A_119 = arith.constant 0 : i32
    %dma_wait3A_120 = tpu.memref_slice %arg5[%dma_wait3A_118, %dma_wait3A_119] : memref<8x128xi32, #tpu.memory_space<vmem>> -> memref<1x128xi32, #tpu.memory_space<vmem>>
    %dma_wait3A_121 = tpu.memref_squeeze %dma_wait3A_120 : memref<1x128xi32, #tpu.memory_space<vmem>> -> memref<128xi32, #tpu.memory_space<vmem>>
    %dma_wait3A_122 = arith.constant 0 : i32
    %dma_wait3A_123 = arith.constant 0 : i32
    %dma_wait3A_124 = tpu.memref_slice %arg2[%dma_wait3A_122, %dma_wait3A_123] : memref<1024x128xf32, #tpu.memory_space<hbm>> -> memref<1024x128xf32, #tpu.memory_space<hbm>>
    tpu.wait_indirect_dma semaphore(%arg9 : memref<!tpu.dma_semaphore, #tpu.memory_space<semaphore_mem>>) src(%dma_wait3A_124 : memref<1024x128xf32, #tpu.memory_space<hbm>>) dst(%arg8 : memref<128x128xf32, #tpu.memory_space<vmem>>)
    %dma_start3A_125 = arith.constant 6 : i32
    %dma_start3A_126 = arith.constant 0 : i32
    %dma_start3A_127 = tpu.memref_slice %arg5[%dma_start3A_125, %dma_start3A_126] : memref<8x128xi32, #tpu.memory_space<vmem>> -> memref<1x128xi32, #tpu.memory_space<vmem>>
    %dma_start3A_128 = tpu.memref_squeeze %dma_start3A_127 : memref<1x128xi32, #tpu.memory_space<vmem>> -> memref<128xi32, #tpu.memory_space<vmem>>
    %dma_start3A_129 = arith.constant 0 : i32
    %dma_start3A_130 = arith.constant 0 : i32
    %dma_start3A_131 = tpu.memref_slice %arg2[%dma_start3A_129, %dma_start3A_130] : memref<1024x128xf32, #tpu.memory_space<hbm>> -> memref<1024x128xf32, #tpu.memory_space<hbm>>
    tpu.enqueue_indirect_dma source(%dma_start3A_131 : memref<1024x128xf32, #tpu.memory_space<hbm>>) target(%arg6 : memref<128x128xf32, #tpu.memory_space<vmem>>) offsets(%dma_start3A_128 : memref<128xi32, #tpu.memory_space<vmem>>) semaphore(%arg9 : memref<!tpu.dma_semaphore, #tpu.memory_space<semaphore_mem>>)
    %dma_wait3A_132 = arith.constant 0 : i32
    %dma_wait3A_133 = tpu.memref_slice %arg4[%add3A_65, %dma_wait3A_132] : memref<32768x128xf32, #tpu.memory_space<hbm>> -> memref<128x128xf32, #tpu.memory_space<hbm>>
    %dma_wait3A_134 = arith.constant 0 : i32
    %dma_wait3A_135 = tpu.memref_slice %arg4[%add3A_65, %dma_wait3A_134] : memref<32768x128xf32, #tpu.memory_space<hbm>> -> memref<128x128xf32, #tpu.memory_space<hbm>>
    tpu.wait_dma2 semaphore(%arg10 : memref<!tpu.dma_semaphore, #tpu.memory_space<semaphore_mem>>) src(%arg8 : memref<128x128xf32, #tpu.memory_space<vmem>>) dst(%dma_wait3A_135 : memref<128x128xf32, #tpu.memory_space<hbm>>)
    %add3A_136 = arith.constant 640 : i32
    %add3A_137 = arith.addi %mul3A_2, %add3A_136 : i32
    %dma_start3A_138 = arith.constant 0 : i32
    %dma_start3A_139 = tpu.memref_slice %arg4[%add3A_137, %dma_start3A_138] : memref<32768x128xf32, #tpu.memory_space<hbm>> -> memref<128x128xf32, #tpu.memory_space<hbm>>
    %dma_start3A_140 = arith.constant 0 : i32
    %dma_start3A_141 = tpu.memref_slice %arg4[%add3A_137, %dma_start3A_140] : memref<32768x128xf32, #tpu.memory_space<hbm>> -> memref<128x128xf32, #tpu.memory_space<hbm>>
    tpu.enqueue_dma source(%arg8 : memref<128x128xf32, #tpu.memory_space<vmem>>) target(%dma_start3A_141 : memref<128x128xf32, #tpu.memory_space<hbm>>) target_semaphore(%arg10 : memref<!tpu.dma_semaphore, #tpu.memory_space<semaphore_mem>>)
    %dma_wait3A_142 = arith.constant 6 : i32
    %dma_wait3A_143 = arith.constant 0 : i32
    %dma_wait3A_144 = tpu.memref_slice %arg5[%dma_wait3A_142, %dma_wait3A_143] : memref<8x128xi32, #tpu.memory_space<vmem>> -> memref<1x128xi32, #tpu.memory_space<vmem>>
    %dma_wait3A_145 = tpu.memref_squeeze %dma_wait3A_144 : memref<1x128xi32, #tpu.memory_space<vmem>> -> memref<128xi32, #tpu.memory_space<vmem>>
    %dma_wait3A_146 = arith.constant 0 : i32
    %dma_wait3A_147 = arith.constant 0 : i32
    %dma_wait3A_148 = tpu.memref_slice %arg2[%dma_wait3A_146, %dma_wait3A_147] : memref<1024x128xf32, #tpu.memory_space<hbm>> -> memref<1024x128xf32, #tpu.memory_space<hbm>>
    tpu.wait_indirect_dma semaphore(%arg9 : memref<!tpu.dma_semaphore, #tpu.memory_space<semaphore_mem>>) src(%dma_wait3A_148 : memref<1024x128xf32, #tpu.memory_space<hbm>>) dst(%arg6 : memref<128x128xf32, #tpu.memory_space<vmem>>)
    %dma_start3A_149 = arith.constant 7 : i32
    %dma_start3A_150 = arith.constant 0 : i32
    %dma_start3A_151 = tpu.memref_slice %arg5[%dma_start3A_149, %dma_start3A_150] : memref<8x128xi32, #tpu.memory_space<vmem>> -> memref<1x128xi32, #tpu.memory_space<vmem>>
    %dma_start3A_152 = tpu.memref_squeeze %dma_start3A_151 : memref<1x128xi32, #tpu.memory_space<vmem>> -> memref<128xi32, #tpu.memory_space<vmem>>
    %dma_start3A_153 = arith.constant 0 : i32
    %dma_start3A_154 = arith.constant 0 : i32
    %dma_start3A_155 = tpu.memref_slice %arg2[%dma_start3A_153, %dma_start3A_154] : memref<1024x128xf32, #tpu.memory_space<hbm>> -> memref<1024x128xf32, #tpu.memory_space<hbm>>
    tpu.enqueue_indirect_dma source(%dma_start3A_155 : memref<1024x128xf32, #tpu.memory_space<hbm>>) target(%arg7 : memref<128x128xf32, #tpu.memory_space<vmem>>) offsets(%dma_start3A_152 : memref<128xi32, #tpu.memory_space<vmem>>) semaphore(%arg9 : memref<!tpu.dma_semaphore, #tpu.memory_space<semaphore_mem>>)
    %dma_wait3A_156 = arith.constant 0 : i32
    %dma_wait3A_157 = tpu.memref_slice %arg4[%add3A_89, %dma_wait3A_156] : memref<32768x128xf32, #tpu.memory_space<hbm>> -> memref<128x128xf32, #tpu.memory_space<hbm>>
    %dma_wait3A_158 = arith.constant 0 : i32
    %dma_wait3A_159 = tpu.memref_slice %arg4[%add3A_89, %dma_wait3A_158] : memref<32768x128xf32, #tpu.memory_space<hbm>> -> memref<128x128xf32, #tpu.memory_space<hbm>>
    tpu.wait_dma2 semaphore(%arg10 : memref<!tpu.dma_semaphore, #tpu.memory_space<semaphore_mem>>) src(%arg6 : memref<128x128xf32, #tpu.memory_space<vmem>>) dst(%dma_wait3A_159 : memref<128x128xf32, #tpu.memory_space<hbm>>)
    %add3A_160 = arith.constant 768 : i32
    %add3A_161 = arith.addi %mul3A_2, %add3A_160 : i32
    %dma_start3A_162 = arith.constant 0 : i32
    %dma_start3A_163 = tpu.memref_slice %arg4[%add3A_161, %dma_start3A_162] : memref<32768x128xf32, #tpu.memory_space<hbm>> -> memref<128x128xf32, #tpu.memory_space<hbm>>
    %dma_start3A_164 = arith.constant 0 : i32
    %dma_start3A_165 = tpu.memref_slice %arg4[%add3A_161, %dma_start3A_164] : memref<32768x128xf32, #tpu.memory_space<hbm>> -> memref<128x128xf32, #tpu.memory_space<hbm>>
    tpu.enqueue_dma source(%arg6 : memref<128x128xf32, #tpu.memory_space<vmem>>) target(%dma_start3A_165 : memref<128x128xf32, #tpu.memory_space<hbm>>) target_semaphore(%arg10 : memref<!tpu.dma_semaphore, #tpu.memory_space<semaphore_mem>>)
    %dma_wait3A_166 = arith.constant 7 : i32
    %dma_wait3A_167 = arith.constant 0 : i32
    %dma_wait3A_168 = tpu.memref_slice %arg5[%dma_wait3A_166, %dma_wait3A_167] : memref<8x128xi32, #tpu.memory_space<vmem>> -> memref<1x128xi32, #tpu.memory_space<vmem>>
    %dma_wait3A_169 = tpu.memref_squeeze %dma_wait3A_168 : memref<1x128xi32, #tpu.memory_space<vmem>> -> memref<128xi32, #tpu.memory_space<vmem>>
    %dma_wait3A_170 = arith.constant 0 : i32
    %dma_wait3A_171 = arith.constant 0 : i32
    %dma_wait3A_172 = tpu.memref_slice %arg2[%dma_wait3A_170, %dma_wait3A_171] : memref<1024x128xf32, #tpu.memory_space<hbm>> -> memref<1024x128xf32, #tpu.memory_space<hbm>>
    tpu.wait_indirect_dma semaphore(%arg9 : memref<!tpu.dma_semaphore, #tpu.memory_space<semaphore_mem>>) src(%dma_wait3A_172 : memref<1024x128xf32, #tpu.memory_space<hbm>>) dst(%arg7 : memref<128x128xf32, #tpu.memory_space<vmem>>)
    %dma_wait3A_173 = arith.constant 0 : i32
    %dma_wait3A_174 = tpu.memref_slice %arg4[%add3A_113, %dma_wait3A_173] : memref<32768x128xf32, #tpu.memory_space<hbm>> -> memref<128x128xf32, #tpu.memory_space<hbm>>
    %dma_wait3A_175 = arith.constant 0 : i32
    %dma_wait3A_176 = tpu.memref_slice %arg4[%add3A_113, %dma_wait3A_175] : memref<32768x128xf32, #tpu.memory_space<hbm>> -> memref<128x128xf32, #tpu.memory_space<hbm>>
    tpu.wait_dma2 semaphore(%arg10 : memref<!tpu.dma_semaphore, #tpu.memory_space<semaphore_mem>>) src(%arg7 : memref<128x128xf32, #tpu.memory_space<vmem>>) dst(%dma_wait3A_176 : memref<128x128xf32, #tpu.memory_space<hbm>>)
    %add3A_177 = arith.constant 896 : i32
    %add3A_178 = arith.addi %mul3A_2, %add3A_177 : i32
    %dma_start3A_179 = arith.constant 0 : i32
    %dma_start3A_180 = tpu.memref_slice %arg4[%add3A_178, %dma_start3A_179] : memref<32768x128xf32, #tpu.memory_space<hbm>> -> memref<128x128xf32, #tpu.memory_space<hbm>>
    %dma_start3A_181 = arith.constant 0 : i32
    %dma_start3A_182 = tpu.memref_slice %arg4[%add3A_178, %dma_start3A_181] : memref<32768x128xf32, #tpu.memory_space<hbm>> -> memref<128x128xf32, #tpu.memory_space<hbm>>
    tpu.enqueue_dma source(%arg7 : memref<128x128xf32, #tpu.memory_space<vmem>>) target(%dma_start3A_182 : memref<128x128xf32, #tpu.memory_space<hbm>>) target_semaphore(%arg10 : memref<!tpu.dma_semaphore, #tpu.memory_space<semaphore_mem>>)
    %dma_wait3A_183 = arith.constant 0 : i32
    %dma_wait3A_184 = tpu.memref_slice %arg4[%add3A_137, %dma_wait3A_183] : memref<32768x128xf32, #tpu.memory_space<hbm>> -> memref<128x128xf32, #tpu.memory_space<hbm>>
    %dma_wait3A_185 = arith.constant 0 : i32
    %dma_wait3A_186 = tpu.memref_slice %arg4[%add3A_137, %dma_wait3A_185] : memref<32768x128xf32, #tpu.memory_space<hbm>> -> memref<128x128xf32, #tpu.memory_space<hbm>>
    tpu.wait_dma2 semaphore(%arg10 : memref<!tpu.dma_semaphore, #tpu.memory_space<semaphore_mem>>) src(%arg8 : memref<128x128xf32, #tpu.memory_space<vmem>>) dst(%dma_wait3A_186 : memref<128x128xf32, #tpu.memory_space<hbm>>)
    %dma_wait3A_187 = arith.constant 0 : i32
    %dma_wait3A_188 = tpu.memref_slice %arg4[%add3A_161, %dma_wait3A_187] : memref<32768x128xf32, #tpu.memory_space<hbm>> -> memref<128x128xf32, #tpu.memory_space<hbm>>
    %dma_wait3A_189 = arith.constant 0 : i32
    %dma_wait3A_190 = tpu.memref_slice %arg4[%add3A_161, %dma_wait3A_189] : memref<32768x128xf32, #tpu.memory_space<hbm>> -> memref<128x128xf32, #tpu.memory_space<hbm>>
    tpu.wait_dma2 semaphore(%arg10 : memref<!tpu.dma_semaphore, #tpu.memory_space<semaphore_mem>>) src(%arg6 : memref<128x128xf32, #tpu.memory_space<vmem>>) dst(%dma_wait3A_190 : memref<128x128xf32, #tpu.memory_space<hbm>>)
    %dma_wait3A_191 = arith.constant 0 : i32
    %dma_wait3A_192 = tpu.memref_slice %arg4[%add3A_178, %dma_wait3A_191] : memref<32768x128xf32, #tpu.memory_space<hbm>> -> memref<128x128xf32, #tpu.memory_space<hbm>>
    %dma_wait3A_193 = arith.constant 0 : i32
    %dma_wait3A_194 = tpu.memref_slice %arg4[%add3A_178, %dma_wait3A_193] : memref<32768x128xf32, #tpu.memory_space<hbm>> -> memref<128x128xf32, #tpu.memory_space<hbm>>
    tpu.wait_dma2 semaphore(%arg10 : memref<!tpu.dma_semaphore, #tpu.memory_space<semaphore_mem>>) src(%arg7 : memref<128x128xf32, #tpu.memory_space<vmem>>) dst(%dma_wait3A_194 : memref<128x128xf32, #tpu.memory_space<hbm>>)
    return
  }
}

module attributes {stable_mosaic.version = 14 : i64} {
  func.func @_distance_body(%arg0: i32, %arg1: memref<4x64x1024xf32, #tpu.memory_space<vmem>>, %arg2: memref<64x1024xf32, #tpu.memory_space<vmem>>, %arg3: memref<32x128xi32, #tpu.memory_space<vmem>>, %arg4: memref<1024x128xf32, #tpu.memory_space<vmem>>, %arg5: memref<1x1xf32, #tpu.memory_space<vmem>>, %arg6: memref<1x1xf32, #tpu.memory_space<vmem>>, %arg7: memref<1x1024xf32, #tpu.memory_space<vmem>>, %arg8: memref<1xf32, #tpu.memory_space<smem>>, %arg9: memref<4096x64xf32, #tpu.memory_space<vmem>>) attributes {dimension_semantics = [#tpu.dimension_semantics<arbitrary>], iteration_bounds = array<i64: 8>, scalar_prefetch = 0 : i64, scratch_operands = 3 : i64, tpu.core_type = #tpu.core_type<tc>, window_params = [{transform_indices = @transform_0, window_bounds = array<i64: 4, 64, 1024>}, {pipeline_mode = #tpu.pipeline_mode<synchronous>, transform_indices = @transform_1, window_bounds = array<i64: 64, 1024>}, {transform_indices = @transform_2, window_bounds = array<i64: 32, 128>}, {pipeline_mode = #tpu.pipeline_mode<synchronous>, transform_indices = @transform_3, window_bounds = array<i64: 1024, 128>}, {pipeline_mode = #tpu.pipeline_mode<synchronous>, transform_indices = @transform_4, window_bounds = array<i64: 1, 1>}, {pipeline_mode = #tpu.pipeline_mode<synchronous>, transform_indices = @transform_5, window_bounds = array<i64: 1, 1>}]} {
    %get3A = arith.constant 0 : index
    %get3A_0 = arith.constant 0 : index
    %get3A_1 = vector.load %arg2[%get3A, %get3A_0] : memref<64x1024xf32, #tpu.memory_space<vmem>>, vector<64x1024xf32>
    %mul3A = arith.mulf %get3A_1, %get3A_1 : vector<64x1024xf32>
    %reduce_sum3A = arith.constant dense<0.000000e+00> : vector<1024xf32>
    %reduce_sum3A_2 = vector.multi_reduction <add>, %mul3A, %reduce_sum3A [0] : vector<64x1024xf32> to vector<1024xf32>
    %broadcast_in_dim3A = vector.shape_cast %reduce_sum3A_2 : vector<1024xf32> to vector<1x1024xf32>
    %eq3A = arith.constant 0 : i32
    %eq3A_3 = arith.cmpi eq, %arg0, %eq3A : i32
    %convert_element_type3A = arith.extui %eq3A_3 : i1 to i32
    %cond3A = arith.constant 0 : i32
    %cond3A_4 = arith.cmpi ne, %convert_element_type3A, %cond3A : i32
    scf.if %cond3A_4 {
      %broadcast_in_dim3A_96 = arith.constant 0.000000e+00 : f32
      %broadcast_in_dim3A_97 = vector.broadcast %broadcast_in_dim3A_96 : f32 to vector<1x1024xf32>
      %swap3A_98 = arith.constant 0 : index
      %swap3A_99 = arith.constant 0 : index
      %swap3A_100 = vector.load %arg7[%swap3A_98, %swap3A_99] : memref<1x1024xf32, #tpu.memory_space<vmem>>, vector<1x1024xf32>
      tpu.vector_store %arg7[%swap3A_98, %swap3A_99], %broadcast_in_dim3A_97 {strides = array<i32>} : memref<1x1024xf32, #tpu.memory_space<vmem>>, vector<1x1024xf32>,
      %swap3A_101 = arith.constant 0.000000e+00 : f32
      %swap3A_102 = arith.constant 0 : index
      %swap3A_103 = memref.load %arg8[%swap3A_102] : memref<1xf32, #tpu.memory_space<smem>>
      memref.store %swap3A_101, %arg8[%swap3A_102] : memref<1xf32, #tpu.memory_space<smem>>
      %transpose3A_104 = tpu.transpose %get3A_1, [1, 0] : vector<64x1024xf32> -> vector<1024x64xf32>
      %broadcast_in_dim3A_105 = arith.constant 0.000000e+00 : f32
      %broadcast_in_dim3A_106 = vector.broadcast %broadcast_in_dim3A_105 : f32 to vector<1024x64xf32>
      %concatenate3A = tpu.concatenate %transpose3A_104, %broadcast_in_dim3A_106 in 1 : vector<1024x64xf32>, vector<1024x64xf32> -> vector<1024x128xf32>
      %swap3A_107 = arith.constant 0 : index
      %swap3A_108 = arith.constant 0 : index
      %swap3A_109 = vector.load %arg4[%swap3A_107, %swap3A_108] : memref<1024x128xf32, #tpu.memory_space<vmem>>, vector<1024x128xf32>
      tpu.vector_store %arg4[%swap3A_107, %swap3A_108], %concatenate3A {strides = array<i32>} : memref<1024x128xf32, #tpu.memory_space<vmem>>, vector<1024x128xf32>,
    } else {
    }
    %get3A_5 = arith.constant 0 : index
    %get3A_6 = arith.constant 0 : index
    %get3A_7 = arith.constant 0 : index
    %get3A_8 = vector.load %arg1[%get3A_5, %get3A_6, %get3A_7] : memref<4x64x1024xf32, #tpu.memory_space<vmem>>, vector<1x64x1024xf32>
    %get3A_9 = vector.shape_cast %get3A_8 : vector<1x64x1024xf32> to vector<64x1024xf32>
    %transpose3A = tpu.transpose %get3A_9, [1, 0] : vector<64x1024xf32> -> vector<1024x64xf32>
    %swap3A = arith.constant 0 : index
    %swap3A_10 = arith.constant 0 : index
    %swap3A_11 = vector.load %arg9[%swap3A, %swap3A_10] : memref<4096x64xf32, #tpu.memory_space<vmem>>, vector<1024x64xf32>
    tpu.vector_store %arg9[%swap3A, %swap3A_10], %transpose3A {strides = array<i32>} : memref<4096x64xf32, #tpu.memory_space<vmem>>, vector<1024x64xf32>,
    %get3A_12 = arith.constant 1 : index
    %get3A_13 = arith.constant 0 : index
    %get3A_14 = arith.constant 0 : index
    %get3A_15 = vector.load %arg1[%get3A_12, %get3A_13, %get3A_14] : memref<4x64x1024xf32, #tpu.memory_space<vmem>>, vector<1x64x1024xf32>
    %get3A_16 = vector.shape_cast %get3A_15 : vector<1x64x1024xf32> to vector<64x1024xf32>
    %transpose3A_17 = tpu.transpose %get3A_16, [1, 0] : vector<64x1024xf32> -> vector<1024x64xf32>
    %swap3A_18 = arith.constant 1024 : index
    %swap3A_19 = arith.constant 0 : index
    %swap3A_20 = vector.load %arg9[%swap3A_18, %swap3A_19] : memref<4096x64xf32, #tpu.memory_space<vmem>>, vector<1024x64xf32>
    tpu.vector_store %arg9[%swap3A_18, %swap3A_19], %transpose3A_17 {strides = array<i32>} : memref<4096x64xf32, #tpu.memory_space<vmem>>, vector<1024x64xf32>,
    %get3A_21 = arith.constant 2 : index
    %get3A_22 = arith.constant 0 : index
    %get3A_23 = arith.constant 0 : index
    %get3A_24 = vector.load %arg1[%get3A_21, %get3A_22, %get3A_23] : memref<4x64x1024xf32, #tpu.memory_space<vmem>>, vector<1x64x1024xf32>
    %get3A_25 = vector.shape_cast %get3A_24 : vector<1x64x1024xf32> to vector<64x1024xf32>
    %transpose3A_26 = tpu.transpose %get3A_25, [1, 0] : vector<64x1024xf32> -> vector<1024x64xf32>
    %swap3A_27 = arith.constant 2048 : index
    %swap3A_28 = arith.constant 0 : index
    %swap3A_29 = vector.load %arg9[%swap3A_27, %swap3A_28] : memref<4096x64xf32, #tpu.memory_space<vmem>>, vector<1024x64xf32>
    tpu.vector_store %arg9[%swap3A_27, %swap3A_28], %transpose3A_26 {strides = array<i32>} : memref<4096x64xf32, #tpu.memory_space<vmem>>, vector<1024x64xf32>,
    %get3A_30 = arith.constant 3 : index
    %get3A_31 = arith.constant 0 : index
    %get3A_32 = arith.constant 0 : index
    %get3A_33 = vector.load %arg1[%get3A_30, %get3A_31, %get3A_32] : memref<4x64x1024xf32, #tpu.memory_space<vmem>>, vector<1x64x1024xf32>
    %get3A_34 = vector.shape_cast %get3A_33 : vector<1x64x1024xf32> to vector<64x1024xf32>
    %transpose3A_35 = tpu.transpose %get3A_34, [1, 0] : vector<64x1024xf32> -> vector<1024x64xf32>
    %swap3A_36 = arith.constant 3072 : index
    %swap3A_37 = arith.constant 0 : index
    %swap3A_38 = vector.load %arg9[%swap3A_36, %swap3A_37] : memref<4096x64xf32, #tpu.memory_space<vmem>>, vector<1024x64xf32>
    tpu.vector_store %arg9[%swap3A_36, %swap3A_37], %transpose3A_35 {strides = array<i32>} : memref<4096x64xf32, #tpu.memory_space<vmem>>, vector<1024x64xf32>,
    %get3A_39 = arith.constant 0 : index
    %get3A_40 = arith.constant 0 : index
    %get3A_41 = vector.load %arg9[%get3A_39, %get3A_40] : memref<4096x64xf32, #tpu.memory_space<vmem>>, vector<4096x64xf32>
    %mul3A_42 = arith.constant -2.000000e+00 : f32
    %mul3A_43 = vector.broadcast %mul3A_42 : f32 to vector<4096x64xf32>
    %mul3A_44 = arith.mulf %mul3A_43, %get3A_41 : vector<4096x64xf32>
    %dot_general3A = arith.constant dense<0.000000e+00> : vector<4096x1024xf32>
    %dot_general3A_45 = tpu.matmul %mul3A_44, %get3A_1, %dot_general3A {dimension_numbers = #tpu.dot_dimension_numbers<[1], [0], [0], [1], [0, 0, 1, 1], [], []>, transpose_lhs_hint = false} : vector<4096x64xf32>, vector<64x1024xf32>, vector<4096x1024xf32> -> vector<4096x1024xf32>
    %iota3A = tpu.iota {dimensions = array<i32: 1>} : vector<4096x1024xi32>
    %convert_element_type3A_46 = arith.sitofp %iota3A : vector<4096x1024xi32> to vector<4096x1024xf32>
    %mul3A_47 = arith.mulf %get3A_41, %get3A_41 : vector<4096x64xf32>
    %reduce_sum3A_48 = arith.constant dense<0.000000e+00> : vector<4096xf32>
    %reduce_sum3A_49 = vector.multi_reduction <add>, %mul3A_47, %reduce_sum3A_48 [1] : vector<4096x64xf32> to vector<4096xf32>
    %broadcast_in_dim3A_50 = vector.shape_cast %reduce_sum3A_49 : vector<4096xf32> to vector<4096x1xf32>
    %add3A = vector.broadcast %broadcast_in_dim3A_50 : vector<4096x1xf32> to vector<4096x1024xf32>
    %add3A_51 = arith.addf %add3A, %dot_general3A_45 : vector<4096x1024xf32>
    %add3A_52 = vector.broadcast %broadcast_in_dim3A : vector<1x1024xf32> to vector<4096x1024xf32>
    %add3A_53 = arith.addf %add3A_51, %add3A_52 : vector<4096x1024xf32>
    %reduce_min3A = arith.constant dense<0x7F800000> : vector<4096xf32>
    %reduce_min3A_54 = vector.multi_reduction <minimumf>, %add3A_53, %reduce_min3A [1] : vector<4096x1024xf32> to vector<4096xf32>
    %broadcast_in_dim3A_55 = vector.shape_cast %reduce_min3A_54 : vector<4096xf32> to vector<4096x1xf32>
    %eq3A_56 = vector.broadcast %broadcast_in_dim3A_55 : vector<4096x1xf32> to vector<4096x1024xf32>
    %eq3A_57 = arith.cmpf oeq, %add3A_53, %eq3A_56 : vector<4096x1024xf32>
    %jit3A = arith.constant 1.024000e+03 : f32
    %broadcast_in_dim3A_58 = vector.broadcast %jit3A : f32 to vector<4096x1024xf32>
    %select_n3A = arith.select %eq3A_57, %convert_element_type3A_46, %broadcast_in_dim3A_58 : vector<4096x1024xi1>, vector<4096x1024xf32>
    %reduce_min3A_59 = arith.constant dense<0x7F800000> : vector<4096xf32>
    %reduce_min3A_60 = vector.multi_reduction <minimumf>, %select_n3A, %reduce_min3A_59 [1] : vector<4096x1024xf32> to vector<4096xf32>
    %jit3A_61 = arith.constant 1.000000e+00 : f32
    %jit3A_62 = arith.constant 0.000000e+00 : f32
    %broadcast_in_dim3A_63 = vector.broadcast %jit3A_61 : f32 to vector<4096x1024xf32>
    %broadcast_in_dim3A_64 = vector.broadcast %jit3A_62 : f32 to vector<4096x1024xf32>
    %select_n3A_65 = arith.select %eq3A_57, %broadcast_in_dim3A_63, %broadcast_in_dim3A_64 : vector<4096x1024xi1>, vector<4096x1024xf32>
    %broadcast_in_dim3A_66 = arith.constant 1.000000e+00 : f32
    %broadcast_in_dim3A_67 = vector.broadcast %broadcast_in_dim3A_66 : f32 to vector<1x4096xf32>
    %dot_general3A_68 = arith.constant dense<0.000000e+00> : vector<1x1024xf32>
    %dot_general3A_69 = tpu.matmul %broadcast_in_dim3A_67, %select_n3A_65, %dot_general3A_68 {dimension_numbers = #tpu.dot_dimension_numbers<[1], [0], [0], [1], [0, 0, 1, 1], [], []>, transpose_lhs_hint = false} : vector<1x4096xf32>, vector<4096x1024xf32>, vector<1x1024xf32> -> vector<1x1024xf32>
    %reduce_sum3A_70 = vector.shape_cast %broadcast_in_dim3A_55 : vector<4096x1xf32> to vector<1x4096x1xf32>
    %reduce_sum3A_71 = arith.constant dense<0.000000e+00> : vector<1xf32>
    %reduce_sum3A_72 = vector.multi_reduction <add>, %reduce_sum3A_70, %reduce_sum3A_71 [1, 2] : vector<1x4096x1xf32> to vector<1xf32>
    %reduce_sum3A_73 = vector.shape_cast %reduce_sum3A_72 : vector<1xf32> to vector<1x1x1xf32>
    %reduce_sum3A_74 = vector.extract %reduce_sum3A_73[0, 0, 0] : f32 from vector<1x1x1xf32>
    %get3A_75 = arith.constant 0 : index
    %get3A_76 = arith.constant 0 : index
    %get3A_77 = vector.load %arg7[%get3A_75, %get3A_76] : memref<1x1024xf32, #tpu.memory_space<vmem>>, vector<1x1024xf32>
    %add3A_78 = arith.addf %get3A_77, %dot_general3A_69 : vector<1x1024xf32>
    %swap3A_79 = arith.constant 0 : index
    %swap3A_80 = arith.constant 0 : index
    %swap3A_81 = vector.load %arg7[%swap3A_79, %swap3A_80] : memref<1x1024xf32, #tpu.memory_space<vmem>>, vector<1x1024xf32>
    tpu.vector_store %arg7[%swap3A_79, %swap3A_80], %add3A_78 {strides = array<i32>} : memref<1x1024xf32, #tpu.memory_space<vmem>>, vector<1x1024xf32>,
    %get3A_82 = arith.constant 0 : index
    %get3A_83 = memref.load %arg8[%get3A_82] : memref<1xf32, #tpu.memory_space<smem>>
    %add3A_84 = arith.addf %get3A_83, %reduce_sum3A_74 : f32
    %swap3A_85 = arith.constant 0 : index
    %swap3A_86 = memref.load %arg8[%swap3A_85] : memref<1xf32, #tpu.memory_space<smem>>
    memref.store %add3A_84, %arg8[%swap3A_85] : memref<1xf32, #tpu.memory_space<smem>>
    %convert_element_type3A_87 = arith.fptosi %reduce_min3A_60 : vector<4096xf32> to vector<4096xi32>
    %reshape3A = vector.shape_cast %convert_element_type3A_87 : vector<4096xi32> to vector<32x128xi32>
    %swap3A_88 = arith.constant 0 : index
    %swap3A_89 = arith.constant 0 : index
    %swap3A_90 = vector.load %arg3[%swap3A_88, %swap3A_89] : memref<32x128xi32, #tpu.memory_space<vmem>>, vector<32x128xi32>
    tpu.vector_store %arg3[%swap3A_88, %swap3A_89], %reshape3A {strides = array<i32>} : memref<32x128xi32, #tpu.memory_space<vmem>>, vector<32x128xi32>,
    %eq3A_91 = arith.constant 7 : i32
    %eq3A_92 = arith.cmpi eq, %arg0, %eq3A_91 : i32
    %convert_element_type3A_93 = arith.extui %eq3A_92 : i1 to i32
    %cond3A_94 = arith.constant 0 : i32
    %cond3A_95 = arith.cmpi ne, %convert_element_type3A_93, %cond3A_94 : i32
    scf.if %cond3A_95 {
      %get3A_96 = arith.constant 0 : index
      %get3A_97 = memref.load %arg8[%get3A_96] : memref<1xf32, #tpu.memory_space<smem>>
      %div3A = arith.constant 0x4A000000 : f32
      %div3A_98 = arith.divf %get3A_97, %div3A : f32
      %broadcast_in_dim3A_99 = vector.broadcast %div3A_98 : f32 to vector<1x1xf32>
      %swap3A_100 = arith.constant 0 : index
      %swap3A_101 = arith.constant 0 : index
      %swap3A_102 = vector.load %arg5[%swap3A_100, %swap3A_101] : memref<1x1xf32, #tpu.memory_space<vmem>>, vector<1x1xf32>
      tpu.vector_store %arg5[%swap3A_100, %swap3A_101], %broadcast_in_dim3A_99 {strides = array<i32>} : memref<1x1xf32, #tpu.memory_space<vmem>>, vector<1x1xf32>,
      %get3A_103 = arith.constant 0 : index
      %get3A_104 = arith.constant 0 : index
      %get3A_105 = vector.load %arg7[%get3A_103, %get3A_104] : memref<1x1024xf32, #tpu.memory_space<vmem>>, vector<1x1024xf32>
      %mul3A_106 = arith.constant 3.05175781E-5 : f32
      %mul3A_107 = vector.broadcast %mul3A_106 : f32 to vector<1x1024xf32>
      %mul3A_108 = arith.mulf %get3A_105, %mul3A_107 : vector<1x1024xf32>
      %add3A_109 = arith.constant 1.000000e-10 : f32
      %add3A_110 = vector.broadcast %add3A_109 : f32 to vector<1x1024xf32>
      %add3A_111 = arith.addf %mul3A_108, %add3A_110 : vector<1x1024xf32>
      %log3A = math.log %add3A_111 : vector<1x1024xf32>
      %mul3A_112 = arith.mulf %mul3A_108, %log3A : vector<1x1024xf32>
      %reduce_sum3A_113 = vector.shape_cast %mul3A_112 : vector<1x1024xf32> to vector<1x1x1024xf32>
      %reduce_sum3A_114 = arith.constant dense<0.000000e+00> : vector<1xf32>
      %reduce_sum3A_115 = vector.multi_reduction <add>, %reduce_sum3A_113, %reduce_sum3A_114 [1, 2] : vector<1x1x1024xf32> to vector<1xf32>
      %reduce_sum3A_116 = vector.shape_cast %reduce_sum3A_115 : vector<1xf32> to vector<1x1x1xf32>
      %reduce_sum3A_117 = vector.extract %reduce_sum3A_116[0, 0, 0] : f32 from vector<1x1x1xf32>
      %neg3A = arith.constant 0.000000e+00 : f32
      %neg3A_118 = arith.subf %neg3A, %reduce_sum3A_117 : f32
      %exp3A = math.exp %neg3A_118 : f32
      %broadcast_in_dim3A_119 = vector.broadcast %exp3A : f32 to vector<1x1xf32>
      %swap3A_120 = arith.constant 0 : index
      %swap3A_121 = arith.constant 0 : index
      %swap3A_122 = vector.load %arg6[%swap3A_120, %swap3A_121] : memref<1x1xf32, #tpu.memory_space<vmem>>, vector<1x1xf32>
      tpu.vector_store %arg6[%swap3A_120, %swap3A_121], %broadcast_in_dim3A_119 {strides = array<i32>} : memref<1x1xf32, #tpu.memory_space<vmem>>, vector<1x1xf32>,
    } else {
    }
    return
  }
  func.func @transform_0(%arg0: i32) -> (i32, i32, i32) {
    %c0_i32 = arith.constant 0 : i32
    %c0_i32_0 = arith.constant 0 : i32
    %c0_i32_1 = arith.constant 0 : i32
    return %arg0, %c0_i32, %c0_i32_0 : i32, i32, i32
  }
  func.func @transform_1(%arg0: i32) -> (i32, i32) {
    %c0_i32 = arith.constant 0 : i32
    %c0_i32_0 = arith.constant 0 : i32
    %c0_i32_1 = arith.constant 0 : i32
    return %c0_i32, %c0_i32_0 : i32, i32
  }
  func.func @transform_2(%arg0: i32) -> (i32, i32) {
    %c0_i32 = arith.constant 0 : i32
    %c0_i32_0 = arith.constant 0 : i32
    return %arg0, %c0_i32 : i32, i32
  }
  func.func @transform_3(%arg0: i32) -> (i32, i32) {
    %c0_i32 = arith.constant 0 : i32
    %c0_i32_0 = arith.constant 0 : i32
    %c0_i32_1 = arith.constant 0 : i32
    return %c0_i32, %c0_i32_0 : i32, i32
  }
  func.func @transform_4(%arg0: i32) -> (i32, i32) {
    %c0_i32 = arith.constant 0 : i32
    %c0_i32_0 = arith.constant 0 : i32
    %c0_i32_1 = arith.constant 0 : i32
    return %c0_i32, %c0_i32_0 : i32, i32
  }
  func.func @transform_5(%arg0: i32) -> (i32, i32) {
    %c0_i32 = arith.constant 0 : i32
    %c0_i32_0 = arith.constant 0 : i32
    %c0_i32_1 = arith.constant 0 : i32
    return %c0_i32, %c0_i32_0 : i32, i32
  }
}

</mosaic_0001>

<sc_bundles>
// kernel: kernel.4.cloned.1.call-start
scs
__scs_entry_jumppad:
0x0: {  	(pc) =	sbr.rel $0x88, $3  }
0x1: {  	(tag) =	ssettag $0x0;
	lr =	simm.s32 $0x1  }
0x2: {  	[smem:$0x3F9F] =	sst lr;
	_ =	strace $0xD0000000  }
0x3: {  	_ = 	snop  }
0x4: {  	_ = 	snop  }
0x5: {  	_ = 	snop  }
0x6: {  	_ = 	snop  }
0x7: {  	_ = 	snop  }
__scs_overlays_trampoline_lowered:
0x8: {  	[smem:$0x3FAE] =	sst s0  }
0x9: {  	[smem:$0x3FAF] =	sst s1  }
0xa: {  	[smem:$0x3FB0] =	sst s2  }
0xb: {  	[smem:$0x3FB1] =	sst s3  }
0xc: {  	[smem:$0x3FB2] =	sst s4  }
0xd: {  	[smem:$0x3FB3] =	sst s5  }
0xe: {  	[smem:$0x3FB4] =	sst s6  }
0xf: {  	[smem:$0x3FB5] =	sst s7  }
0x10: {  	[smem:$0x3FB6] =	sst s8  }
0x11: {  	[smem:$0x3FB7] =	sst s9;
	s0 =	simm.s32 @!p0 $0x0  }
0x12: {  	s1 =	sld [smem:$0x3F9D];
	s0 =	simm.s32 @p0 $0x1  }
0x13: {  	[smem:$0x3FB8] =	sst s0;
	s0 =	simm.s32 @!p1 $0x0  }
0x14: {  	s2 =	sld [smem:$0x3F9C];
	s0 =	simm.s32 @p1 $0x1  }
0x15: {  	[smem:$0x3FB9] =	sst s0;
	s0 =	simm.s32 @!p2 $0x0  }
0x16: {  	s3 =	sld [smem:$0x3FDB];
	s0 =	simm.s32 @p2 $0x1  }
0x17: {  	s4 =	simm.s32 $0x1BF5;
	[smem:$0x3FBB] =	sst s0  }
0x18: {  	s0 =	sld [smem:$0x3F9E];
	_ =	swait.ge [sflag:s4], $0x0  }
0x19: {  	s7 =	sld [smem:$0x3F9F]  }
0x1a: {  	s8 =	sadd.s32 $0xFFFFE003, lr  }
0x1b: {  	s9 =	sadd.s32 $0xFFFFFEF7, lr;
	s5 =	simm.s32 $0xFFFFFFFF;
	p2 =	slt.u32 s8, $0xFFFFF086  }
0x1c: {  	p1 =	slt.u32 s9, $0xF7A;
	s5 =	simm.s32 @!p2 $0x0  }
0x1d: {  	s5 =	simm.s32 @p1 $0x1;
	p0 =	seq.s32 s7, s2  }
0x1e: {  	s7 =	smul.u32 @!p0 $0xF7A, s2;
	p2 =	seq.s32 @!p0 s5, $0x0  }
0x1f: {  	s9 =	smul.u32 $0xF7A, s1;
	s8 =	simm.s32 @!p0 $0x1BF5;
	p2 =	por !p2, p0  }
0x20: {  	[sflag:s8] =	ssyncset.s32 @!p0 $0xFFFFF086;
	s6 =	sadd.s32 @!p0 s3, s7;
	s7 =	simm.s32 @!p0 $0x108  }
0x21: {  	s3 =	sadd.s32 s3, s9;
	s6 =	sadd.s32 @!p0 $0x88, s6;
	s7 =	simm.s32 @p2 $0x1082  }
0x22: {  	[simem:s7], [sflag:s8] =	dma.local @!p0 [hbm:s6], $0xF7A  }
0x23: {  	s9 =	sor.u32 $0xD0000000, s2;
	s6 =	simm.s32 $0x108;
	_ =	swait.ge @!p0 [sflag:s8], $0x0  }
0x24: {  	s3 =	sadd.s32 $0x88, s3;
	s6 =	simm.s32 @!p1 $0x1082;
	[sflag:s4] =	ssyncset.s32 $0xFFFFF086  }
0x25: {  	[simem:s6], [sflag:s4] =	dma.local [hbm:s3], $0xF7A  }
0x26: {  	[smem:$0x3F9F] =	sst s1;
	(tag) =	ssettag s2;
	_ =	strace s9  }
0x27: {  	s1 =	sld [smem:$0x3FAF]  }
0x28: {  	s2 =	sld [smem:$0x3FB0]  }
0x29: {  	s4 =	sld [smem:$0x3FB2]  }
0x2a: {  	p0 =	seq.s32 s5, $0x0;
	s5 =	sld [smem:$0x3FB3]  }
0x2b: {  	s6 =	sld [smem:$0x3FB4]  }
0x2c: {  	s7 =	sld [smem:$0x3FB5]  }
0x2d: {  	s3 =	simm.s32 $0x108;
	s8 =	sld [smem:$0x3FB6]  }
0x2e: {  	s3 =	simm.s32 @!p0 $0x1082;
	s9 =	sld [smem:$0x3FB7]  }
0x2f: {  	lr =	sadd.s32 s0, s3;
	s0 =	sld [smem:$0x3FAE]  }
0x30: {  	s3 =	sld [smem:$0x3FB1]  }
0x31: {  	[smem:$0x3FBA] =	sst s10  }
0x32: {  	s10 =	sld [smem:$0x3FB8];
	_ =	sdelay $0x3  }
0x33: {  	p0 =	seq.s32 s10, $0x1;
	s10 =	sld [smem:$0x3FBA];
	_ =	sdelay $0x3  }
0x34: {  	[smem:$0x3FBA] =	sst s10  }
0x35: {  	s10 =	sld [smem:$0x3FB9];
	_ =	sdelay $0x3  }
0x36: {  	p1 =	seq.s32 s10, $0x1;
	s10 =	sld [smem:$0x3FBA];
	_ =	sdelay $0x3  }
0x37: {  	[smem:$0x3FBA] =	sst s10  }
0x38: {  	s10 =	sld [smem:$0x3FBB]  }
0x39: {  	_ = 	snop;
	(pc) =	sbr.ind lr, $3  }
0x3a: {  	_ = 	snop  }
0x3b: {  	_ = 	snop  }
0x3c: {  	p2 =	seq.s32 s10, $0x1;
	s10 =	sld [smem:$0x3FBA]  }
0x3d: {  	_ =	shalt  }
0x3e: {  	_ =	shalt  }
0x3f: {  	_ =	shalt  }
0x40: {  	_ =	shalt  }
0x41: {  	_ =	shalt  }
0x42: {  	_ =	shalt  }
0x43: {  	_ =	shalt  }
0x44: {  	_ =	shalt  }
0x45: {  	_ =	shalt  }
0x46: {  	_ =	shalt  }
0x47: {  	_ =	shalt  }
0x48: {  	_ =	shalt  }
0x49: {  	_ =	shalt  }
0x4a: {  	_ =	shalt  }
0x4b: {  	_ =	shalt  }
0x4c: {  	_ =	shalt  }
0x4d: {  	_ =	shalt  }
0x4e: {  	_ =	shalt  }
0x4f: {  	_ =	shalt  }
0x50: {  	_ =	shalt  }
0x51: {  	_ =	shalt  }
0x52: {  	_ =	shalt  }
0x53: {  	_ =	shalt  }
0x54: {  	_ =	shalt  }
0x55: {  	_ =	shalt  }
0x56: {  	_ =	shalt  }
0x57: {  	_ =	shalt  }
0x58: {  	_ =	shalt  }
0x59: {  	_ =	shalt  }
0x5a: {  	_ =	shalt  }
0x5b: {  	_ =	shalt  }
0x5c: {  	_ =	shalt  }
0x5d: {  	_ =	shalt  }
0x5e: {  	_ =	shalt  }
0x5f: {  	_ =	shalt  }
0x60: {  	_ =	shalt  }
0x61: {  	_ =	shalt  }
0x62: {  	_ =	shalt  }
0x63: {  	_ =	shalt  }
0x64: {  	_ =	shalt  }
0x65: {  	_ =	shalt  }
0x66: {  	_ =	shalt  }
0x67: {  	_ =	shalt  }
0x68: {  	_ =	shalt  }
0x69: {  	_ =	shalt  }
0x6a: {  	_ =	shalt  }
0x6b: {  	_ =	shalt  }
0x6c: {  	_ =	shalt  }
0x6d: {  	_ =	shalt  }
0x6e: {  	_ =	shalt  }
0x6f: {  	_ =	shalt  }
0x70: {  	_ =	shalt  }
0x71: {  	_ =	shalt  }
0x72: {  	_ =	shalt  }
0x73: {  	_ =	shalt  }
0x74: {  	_ =	shalt  }
0x75: {  	_ =	shalt  }
0x76: {  	_ =	shalt  }
0x77: {  	_ =	shalt  }
0x78: {  	_ =	shalt  }
0x79: {  	_ =	shalt  }
0x7a: {  	_ =	shalt  }
0x7b: {  	_ =	shalt  }
0x7c: {  	_ =	shalt  }
0x7d: {  	_ =	shalt  }
0x7e: {  	_ =	shalt  }
0x7f: {  	_ =	shalt  }
0x80: {  	_ =	shalt  }
0x81: {  	_ =	shalt  }
0x82: {  	_ =	shalt  }
0x83: {  	_ =	shalt  }
0x84: {  	_ =	shalt  }
0x85: {  	_ =	shalt  }
0x86: {  	_ =	shalt  }
0x87: {  	_ =	shalt  }
.Lfunc_end0:
.L_simem_size_0:
called_computation_lowered:
.L_overlay_start_0:
0x88: {  	s2 =	sld [smem:$0x3FD9]  }
0x89: {  	s3 =	sld [smem:$0x3FFE];
	_ =	sdelay $0x1  }
0x8a: {  	s1 =	srdreg.scid  }
0x8b: {  	s0 =	sand.u32 $0x1, s1  }
0x8c: {  	s14 =	sshll.u32 s0, $0xA;
	s2 =	sadd.s32 s3, s2  }
0x8d: {  	s2 =	sadd.s32 s2, s14  }
0x8e: {  	[smem:$0x3FC6] =	sst s2  }
0x8f: {  	_ = 	snop  }
0x90: {  	s2 =	sld [smem:$0x3FD0];
	_ =	sdelay $0x2  }
0x91: {  	s15 =	simm.s32 $0xA;
	s4 =	simm.s32 $0x10  }
0x92: {  	[smem:s4], [sflag:s15] =	dma.local [hbm:s2], $0x1  }
0x93: {  	_ =	swait.eq [sflag:s15], $0x1  }
0x94: {  	[sflag:s15] =	ssyncset.done $0x0  }
0x95: {  	[sflag:s15] =	ssyncadd.s32 $0xFFFFFFFF  }
0x96: {  	s16 =	sld [smem:$0x10];
	(tm) =	ssettm $0x1  }
0x97: {  	s17 =	sld [smem:$0x3FFB];
	_ =	sdelay $0x3  }
0x98: {  	_ =	strace s17  }
0x99: {  	s3 =	sld [smem:$0x3FFC];
	_ =	sdelay $0x3  }
0x9a: {  	_ =	strace s3  }
0x9b: {  	s3 =	sld [smem:$0x3FFD];
	_ =	sdelay $0x3  }
0x9c: {  	_ =	strace s3  }
0x9d: {  	_ =	strace $0x8FFFFFFF  }
0x9e: {  	s18 =	sld [smem:$0x3FDB];
	_ =	sdelay $0x1  }
0x9f: {  	s19 =	simm.s32 $_scs_section_size  }
0xa0: {  	s5 =	simm.s32 $_size__tile_overlayer_lowered;
	s6 =	simm.s32 $_tile_overlayer_lowered  }
0xa1: {  	s22 =	simm.s32 $0x1BFF;
	s21 =	sshll.u32 s6, $0x1;
	s3 =	sadd.s32 s19, s18  }
0xa2: {  	s7 =	simm.s32 $0x0;
	s20 =	sshll.u32 s5, $0x1;
	s5 =	sadd.s32 s21, s3  }
0xa3: {  	[timem:s7], [sflag:s22] =	dma.local [hbm:s5], s20  }
0xa4: {  	_ =	swait.ge [sflag:s22], s20  }
0xa5: {  	s4 =	ssub.s32 $0x0, s20;
	[sflag:s22] =	ssyncset.done $0x0  }
0xa6: {  	[sflag:s22] =	ssyncadd.s32 s4;
	_ =	sdelay $0x1  }
0xa7: {  	s23 =	simm.s32 $0x1B8B  }
0xa8: {  	_ =	swait.ge [sflag:s23], $0x1  }
0xa9: {  	[sflag:s23] =	ssyncset.done $0x0  }
0xaa: {  	s25 =	simm.s32 $0x1B8E;
	s24 =	sld [smem:$0x3FFE];
	[sflag:s23] =	ssyncadd.s32 $0xFFFFFFFF  }
0xab: {  	s26 =	simm.s32 $execute0_lowered;
	[smem:$0x3FD2] =	sst s25  }
0xac: {  	s5 =	sshll.u32 s26, $0x1;
	_ =	strace $0x80000046;
	[dreg:$0x1] =	wrdreg $0xFFFFFFFF  }
0xad: {  	s28 =	simm.s32 $_size_execute0_lowered;
	s3 =	sadd.s32 s3, s5;
	[dreg:$0x0] =	wrdreg $0x0  }
0xae: {  	s5 =	sshll.u32 s28, $0x1;
	[dreg:$0x2] =	wrdreg s3  }
0xaf: {  	[dreg:$0x3] =	wrdreg s5  }
0xb0: {  	[dreg:$0x4] =	wrdreg $0xC0  }
0xb1: {  	_ =	task [dreg:s7], $0x5FFFF  }
0xb2: {  	[dreg:$0x1] =	wrdreg $0xFFFFFFFF  }
0xb3: {  	[dreg:$0x0] =	wrdreg $0x60  }
0xb4: {  	[dreg:$0x2] =	wrdreg s16  }
0xb5: {  	[dreg:$0x3] =	wrdreg s24  }
0xb6: {  	[dreg:$0x4] =	wrdreg $0x9  }
0xb7: {  	_ =	task.clear_ibuf [dreg:s7], $0x5FFFF;
	_ =	strace $0x90000046  }
0xb8: {  	s29 =	simm.s32 $0x9;
	_ =	strace $0x80000048  }
0xb9: {  	_ =	swait.ge [sflag:s29], $0x1  }
0xba: {  	[sflag:s29] =	ssyncadd.s32 $0xFFFFFFFF  }
0xbb: {  	_ =	strace $0x90000048  }
0xbc: {  	_ =	sfence  }
0xbd: {  	s30 =	sld [smem:$0x0];
	_ =	sdelay $0x2  }
0xbe: {  	s31 =	sshll.u32 s1, $0xD;
	s1 =	sshrl.u32 s1, $0x2  }
0xbf: {  	s3 =	sand.u32 $0x4000, s31;
	s1 =	sadd.s32 s1, s30  }
0xc0: {  	s0 =	sor.u32 s3, s0;
	s1 =	sshll.u32 s1, $0x11  }
0xc1: {  	s0 =	sor.u32 s1, s0  }
0xc2: {  	s0 =	sadd.s32 $0x8F2B, s0  }
0xc3: {  	[sflag:s0] =	ssyncadd.remote.s32 $0x1  }
0xc4: {  	_ =	sfence.sel $0xFFFF  }
0xc5: {  	[dreg:$0x0] =	wrdreg $0xFFFFFFFF;
	(pc) =	sbr.abs _section_cstart, $3  }
0xc6: {  	[dreg:$0x1] =	wrdreg $0xFFFFFFFF  }
0xc7: {  	_ =	task.clear_ibuf [dreg:s7], $0x2FFFF;
	_ =	strace $0x9FFFFFFF  }
0xc8: {  	(tm) =	ssettm $0x7FFFFFFF  }
0xc9: {  	_ =	shalt  }
tec
execute0_lowered:
.L_overlay_start_1:
0x0: {  	(tag) =	ssettag $0x1  }
0x1: {  	s1 =	srdreg.scid;
	s0 =	stileid.u32  }
0x2: {  	s26 =	sand.u32 $0x1, s1;
	s31 =	sshll.u32 s0, $0x1  }
0x3: {  	s2 =	rddreg [dreg:$0x0];
	s10 =	sor.u32 s26, s31  }
0x4: {  	s9 =	rddreg [dreg:$0x1];
	s3 =	simm.s32 $0x0;
	s4 =	sshll.u32 s10, $0x7  }
0x5: {  	s5 =	simm.s32 $0x3;
	[smem:$0x7FF] =	sst s3;
	s4 =	sadd.s32 s4, s9  }
0x6: {  	s1 =	rddreg [dreg:$0x2];
	_ =	strace $0x80000047;
	s4 =	sadd.s32 $0xE00, s4  }
0x7: {  	[tilespmem:s3], [sflag:$0x3] =	stream.linear.gather [hbm4b:s4+s3], $0x400, $0x38;
	[tilespmem:$0xC400] =	vst v63  }
0x8: {  	_ =	swait.ge [sflag:s5], $0x400  }
0x9: {  	s6 =	simm.s32 $0x80;
	[sflag:s5] =	ssyncset.done $0x0  }
0xa: {  	s7 =	simm.s32 $0x400;
	s8 =	simm.s32 $0x1;
	[sflag:s5] =	ssyncadd.s32 $0xFFFFFC00  }
0xb: {  	[tilespmem:s7], [sflag:$0x1] =	stream.indirect.gather [hbm4b:s2+s6], $0x80, s3, s6, $0xb8;
	[tilespmem:$0xC400] =	vst v63  }
0xc: {  	_ =	swait.ge [sflag:s8], $0x4000  }
0xd: {  	s10 =	sshll.u32 s10, $0xE;
	[sflag:s8] =	ssyncset.done $0x0  }
0xe: {  	s25 =	sadd.s32 s10, s9;
	s9 =	simm.s32 $0x4400;
	[sflag:s8] =	ssyncadd.s32 $0xFFFFC000  }
0xf: {  	[tilespmem:s9], [sflag:$0x1] =	stream.indirect.gather [hbm4b:s2+s6], $0x80, s6, s6, $0xb8;
	[tilespmem:$0xC400] =	vst v63  }
0x10: {  	s10 =	sadd.s32 $0x1E00, s25  }
0x11: {  	[hbm4b:s10+s3] =	stream.linear.scatter [tilespmem:s7], [sflag:$0x2], $0x4000, $0x38;
	[tilespmem:$0xC400] =	vst v63  }
0x12: {  	_ =	swait.ge [sflag:s8], $0x4000  }
0x13: {  	[sflag:s8] =	ssyncset.done $0x0  }
0x14: {  	s11 =	simm.s32 $0x100;
	s12 =	simm.s32 $0x8400;
	[sflag:s8] =	ssyncadd.s32 $0xFFFFC000  }
0x15: {  	[tilespmem:s12], [sflag:$0x1] =	stream.indirect.gather [hbm4b:s2+s6], $0x80, s11, s6, $0xb8;
	[tilespmem:$0xC400] =	vst v63  }
0x16: {  	s13 =	sadd.s32 $0x2600, s25  }
0x17: {  	[hbm4b:s13+s3] =	stream.linear.scatter [tilespmem:s9], [sflag:$0x2], $0x4000, $0x38;
	[tilespmem:$0xC400] =	vst v63  }
0x18: {  	_ =	swait.ge [sflag:s8], $0x4000  }
0x19: {  	[sflag:s8] =	ssyncset.done $0x0  }
0x1a: {  	s14 =	simm.s32 $0x180;
	[sflag:s8] =	ssyncadd.s32 $0xFFFFC000  }
0x1b: {  	[tilespmem:s7], [sflag:$0x1] =	stream.indirect.gather [hbm4b:s2+s6], $0x80, s14, s6, $0xb8;
	[tilespmem:$0xC400] =	vst v63  }
0x1c: {  	s15 =	sadd.s32 $0x2E00, s25  }
0x1d: {  	[hbm4b:s15+s3] =	stream.linear.scatter [tilespmem:s12], [sflag:$0x2], $0x4000, $0x38;
	[tilespmem:$0xC400] =	vst v63  }
0x1e: {  	_ =	swait.ge [sflag:s8], $0x4000  }
0x1f: {  	[sflag:s8] =	ssyncset.done $0x0  }
0x20: {  	s17 =	simm.s32 $0x200;
	s16 =	simm.s32 $0x2;
	[sflag:s8] =	ssyncadd.s32 $0xFFFFC000  }
0x21: {  	[tilespmem:s9], [sflag:$0x1] =	stream.indirect.gather [hbm4b:s2+s6], $0x80, s17, s6, $0xb8;
	[tilespmem:$0xC400] =	vst v63  }
0x22: {  	_ =	swait.ge [sflag:s16], $0x4000  }
0x23: {  	[sflag:s16] =	ssyncset.done $0x0  }
0x24: {  	s18 =	sadd.s32 $0x3600, s25;
	[sflag:s16] =	ssyncadd.s32 $0xFFFFC000  }
0x25: {  	[hbm4b:s18+s3] =	stream.linear.scatter [tilespmem:s7], [sflag:$0x2], $0x4000, $0x38;
	[tilespmem:$0xC400] =	vst v63  }
0x26: {  	_ =	swait.ge [sflag:s8], $0x4000  }
0x27: {  	[sflag:s8] =	ssyncset.done $0x0  }
0x28: {  	s19 =	simm.s32 $0x280;
	[sflag:s8] =	ssyncadd.s32 $0xFFFFC000  }
0x29: {  	[tilespmem:s12], [sflag:$0x1] =	stream.indirect.gather [hbm4b:s2+s6], $0x80, s19, s6, $0xb8;
	[tilespmem:$0xC400] =	vst v63  }
0x2a: {  	_ =	swait.ge [sflag:s16], $0x4000  }
0x2b: {  	[sflag:s16] =	ssyncset.done $0x0  }
0x2c: {  	s20 =	sadd.s32 $0x3E00, s25;
	[sflag:s16] =	ssyncadd.s32 $0xFFFFC000  }
0x2d: {  	[hbm4b:s20+s3] =	stream.linear.scatter [tilespmem:s9], [sflag:$0x2], $0x4000, $0x38;
	[tilespmem:$0xC400] =	vst v63  }
0x2e: {  	_ =	swait.ge [sflag:s8], $0x4000  }
0x2f: {  	[sflag:s8] =	ssyncset.done $0x0  }
0x30: {  	s21 =	simm.s32 $0x300;
	[sflag:s8] =	ssyncadd.s32 $0xFFFFC000  }
0x31: {  	[tilespmem:s7], [sflag:$0x1] =	stream.indirect.gather [hbm4b:s2+s6], $0x80, s21, s6, $0xb8;
	[tilespmem:$0xC400] =	vst v63  }
0x32: {  	_ =	swait.ge [sflag:s16], $0x4000  }
0x33: {  	[sflag:s16] =	ssyncset.done $0x0  }
0x34: {  	s22 =	sadd.s32 $0x4600, s25;
	[sflag:s16] =	ssyncadd.s32 $0xFFFFC000  }
0x35: {  	[hbm4b:s22+s3] =	stream.linear.scatter [tilespmem:s12], [sflag:$0x2], $0x4000, $0x38;
	[tilespmem:$0xC400] =	vst v63  }
0x36: {  	_ =	swait.ge [sflag:s8], $0x4000  }
0x37: {  	[sflag:s8] =	ssyncset.done $0x0  }
0x38: {  	s23 =	simm.s32 $0x380;
	[sflag:s8] =	ssyncadd.s32 $0xFFFFC000  }
0x39: {  	[tilespmem:s9], [sflag:$0x1] =	stream.indirect.gather [hbm4b:s2+s6], $0x80, s23, s6, $0xb8;
	[tilespmem:$0xC400] =	vst v63  }
0x3a: {  	_ =	swait.ge [sflag:s16], $0x4000  }
0x3b: {  	[sflag:s16] =	ssyncset.done $0x0  }
0x3c: {  	s24 =	sadd.s32 $0x4E00, s25;
	[sflag:s16] =	ssyncadd.s32 $0xFFFFC000  }
0x3d: {  	[hbm4b:s24+s3] =	stream.linear.scatter [tilespmem:s7], [sflag:$0x2], $0x4000, $0x38;
	[tilespmem:$0xC400] =	vst v63  }
0x3e: {  	_ =	swait.ge [sflag:s8], $0x4000  }
0x3f: {  	[sflag:s8] =	ssyncset.done $0x0  }
0x40: {  	[sflag:s8] =	ssyncadd.s32 $0xFFFFC000  }
0x41: {  	_ =	swait.ge [sflag:s16], $0x4000  }
0x42: {  	s26 =	ssub.s32 $0x2, s26;
	[sflag:s16] =	ssyncset.done $0x0  }
0x43: {  	s28 =	sshrl.u32 s26, $0x1;
	s25 =	sadd.s32 $0x5600, s25;
	[sflag:s16] =	ssyncadd.s32 $0xFFFFC000  }
0x44: {  	[hbm4b:s25+s3] =	stream.linear.scatter [tilespmem:s9], [sflag:$0x2], $0x4000, $0x38;
	[tilespmem:$0xC400] =	vst v63  }
0x45: {  	s26 =	ssub.s32 s26, s28;
	_ =	swait.ge [sflag:s16], $0x4000  }
0x46: {  	s26 =	smax.u32 s26, $0x1;
	[sflag:s16] =	ssyncset.done $0x0  }
0x47: {  	p0 =	sne.s32 s26, $0x1;
	[sflag:s16] =	ssyncadd.s32 $0xFFFFC000  }
.Ltmp0:
0x48: {  	_ =	swait.ge [sflag:s16], $0x4000;
	(pc) =	sbr.rel @!p0 .LBB2_2-.Ltmp0, $4  }
0x49: {  	[sflag:s16] =	ssyncset.done $0x0  }
0x4a: {  	[sflag:s16] =	ssyncadd.s32 $0xFFFFC000  }
0x4b: {  	_ =	swait.ge [sflag:s16], $0x4000  }
0x4c: {  	s26 =	sadd.s32 $0xFFFFFFFF, s26;
	[sflag:s16] =	ssyncset.done $0x0  }
.LBB2_1:
0x4d: {  	p0 =	sne.s32 s26, $0x1;
	s26 =	sadd.s32 $0xFFFFFFFF, s26;
	[sflag:s16] =	ssyncadd.s32 $0xFFFFC000  }
0x4e: {  	[tilespmem:s3], [sflag:$0x3] =	stream.linear.gather [hbm4b:s4+s3], $0x400, $0x38;
	[tilespmem:$0xC400] =	vst v63  }
0x4f: {  	_ =	swait.ge [sflag:s5], $0x400  }
0x50: {  	[sflag:s5] =	ssyncset.done $0x0  }
0x51: {  	[sflag:s5] =	ssyncadd.s32 $0xFFFFFC00  }
0x52: {  	[tilespmem:s7], [sflag:$0x1] =	stream.indirect.gather [hbm4b:s2+s6], $0x80, s3, s6, $0xb8;
	[tilespmem:$0xC400] =	vst v63  }
0x53: {  	_ =	swait.ge [sflag:s8], $0x4000  }
0x54: {  	[sflag:s8] =	ssyncset.done $0x0  }
0x55: {  	[sflag:s8] =	ssyncadd.s32 $0xFFFFC000  }
0x56: {  	[tilespmem:s9], [sflag:$0x1] =	stream.indirect.gather [hbm4b:s2+s6], $0x80, s6, s6, $0xb8;
	[tilespmem:$0xC400] =	vst v63  }
0x57: {  	_ = 	snop  }
0x58: {  	[hbm4b:s10+s3] =	stream.linear.scatter [tilespmem:s7], [sflag:$0x2], $0x4000, $0x38;
	[tilespmem:$0xC400] =	vst v63  }
0x59: {  	_ =	swait.ge [sflag:s8], $0x4000  }
0x5a: {  	[sflag:s8] =	ssyncset.done $0x0  }
0x5b: {  	[sflag:s8] =	ssyncadd.s32 $0xFFFFC000  }
0x5c: {  	[tilespmem:s12], [sflag:$0x1] =	stream.indirect.gather [hbm4b:s2+s6], $0x80, s11, s6, $0xb8;
	[tilespmem:$0xC400] =	vst v63  }
0x5d: {  	_ = 	snop  }
0x5e: {  	[hbm4b:s13+s3] =	stream.linear.scatter [tilespmem:s9], [sflag:$0x2], $0x4000, $0x38;
	[tilespmem:$0xC400] =	vst v63  }
0x5f: {  	_ =	swait.ge [sflag:s8], $0x4000  }
0x60: {  	[sflag:s8] =	ssyncset.done $0x0  }
0x61: {  	[sflag:s8] =	ssyncadd.s32 $0xFFFFC000  }
0x62: {  	[tilespmem:s7], [sflag:$0x1] =	stream.indirect.gather [hbm4b:s2+s6], $0x80, s14, s6, $0xb8;
	[tilespmem:$0xC400] =	vst v63  }
0x63: {  	_ = 	snop  }
0x64: {  	[hbm4b:s15+s3] =	stream.linear.scatter [tilespmem:s12], [sflag:$0x2], $0x4000, $0x38;
	[tilespmem:$0xC400] =	vst v63  }
0x65: {  	_ =	swait.ge [sflag:s8], $0x4000  }
0x66: {  	[sflag:s8] =	ssyncset.done $0x0  }
0x67: {  	[sflag:s8] =	ssyncadd.s32 $0xFFFFC000  }
0x68: {  	[tilespmem:s9], [sflag:$0x1] =	stream.indirect.gather [hbm4b:s2+s6], $0x80, s17, s6, $0xb8;
	[tilespmem:$0xC400] =	vst v63  }
0x69: {  	_ =	swait.ge [sflag:s16], $0x4000  }
0x6a: {  	[sflag:s16] =	ssyncset.done $0x0  }
0x6b: {  	[sflag:s16] =	ssyncadd.s32 $0xFFFFC000  }
0x6c: {  	[hbm4b:s18+s3] =	stream.linear.scatter [tilespmem:s7], [sflag:$0x2], $0x4000, $0x38;
	[tilespmem:$0xC400] =	vst v63  }
0x6d: {  	_ =	swait.ge [sflag:s8], $0x4000  }
0x6e: {  	[sflag:s8] =	ssyncset.done $0x0  }
0x6f: {  	[sflag:s8] =	ssyncadd.s32 $0xFFFFC000  }
0x70: {  	[tilespmem:s12], [sflag:$0x1] =	stream.indirect.gather [hbm4b:s2+s6], $0x80, s19, s6, $0xb8;
	[tilespmem:$0xC400] =	vst v63  }
0x71: {  	_ =	swait.ge [sflag:s16], $0x4000  }
0x72: {  	[sflag:s16] =	ssyncset.done $0x0  }
0x73: {  	[sflag:s16] =	ssyncadd.s32 $0xFFFFC000  }
0x74: {  	[hbm4b:s20+s3] =	stream.linear.scatter [tilespmem:s9], [sflag:$0x2], $0x4000, $0x38;
	[tilespmem:$0xC400] =	vst v63  }
0x75: {  	_ =	swait.ge [sflag:s8], $0x4000  }
0x76: {  	[sflag:s8] =	ssyncset.done $0x0  }
0x77: {  	[sflag:s8] =	ssyncadd.s32 $0xFFFFC000  }
0x78: {  	[tilespmem:s7], [sflag:$0x1] =	stream.indirect.gather [hbm4b:s2+s6], $0x80, s21, s6, $0xb8;
	[tilespmem:$0xC400] =	vst v63  }
0x79: {  	_ =	swait.ge [sflag:s16], $0x4000  }
0x7a: {  	[sflag:s16] =	ssyncset.done $0x0  }
0x7b: {  	[sflag:s16] =	ssyncadd.s32 $0xFFFFC000  }
0x7c: {  	[hbm4b:s22+s3] =	stream.linear.scatter [tilespmem:s12], [sflag:$0x2], $0x4000, $0x38;
	[tilespmem:$0xC400] =	vst v63  }
0x7d: {  	_ =	swait.ge [sflag:s8], $0x4000  }
0x7e: {  	[sflag:s8] =	ssyncset.done $0x0  }
0x7f: {  	[sflag:s8] =	ssyncadd.s32 $0xFFFFC000  }
0x80: {  	[tilespmem:s9], [sflag:$0x1] =	stream.indirect.gather [hbm4b:s2+s6], $0x80, s23, s6, $0xb8;
	[tilespmem:$0xC400] =	vst v63  }
0x81: {  	_ =	swait.ge [sflag:s16], $0x4000  }
0x82: {  	[sflag:s16] =	ssyncset.done $0x0  }
0x83: {  	[sflag:s16] =	ssyncadd.s32 $0xFFFFC000  }
0x84: {  	[hbm4b:s24+s3] =	stream.linear.scatter [tilespmem:s7], [sflag:$0x2], $0x4000, $0x38;
	[tilespmem:$0xC400] =	vst v63  }
0x85: {  	_ =	swait.ge [sflag:s8], $0x4000  }
0x86: {  	[sflag:s8] =	ssyncset.done $0x0  }
0x87: {  	[sflag:s8] =	ssyncadd.s32 $0xFFFFC000  }
0x88: {  	_ =	swait.ge [sflag:s16], $0x4000  }
0x89: {  	[sflag:s16] =	ssyncset.done $0x0  }
0x8a: {  	[sflag:s16] =	ssyncadd.s32 $0xFFFFC000  }
0x8b: {  	[hbm4b:s25+s3] =	stream.linear.scatter [tilespmem:s9], [sflag:$0x2], $0x4000, $0x38;
	[tilespmem:$0xC400] =	vst v63  }
0x8c: {  	_ =	swait.ge [sflag:s16], $0x4000  }
0x8d: {  	[sflag:s16] =	ssyncset.done $0x0  }
0x8e: {  	[sflag:s16] =	ssyncadd.s32 $0xFFFFC000  }
.Ltmp1:
0x8f: {  	_ =	swait.ge [sflag:s16], $0x4000;
	(pc) =	sbr.rel @p0 .LBB2_1-.Ltmp1, $4  }
0x90: {  	[sflag:s16] =	ssyncset.done $0x0  }
0x91: {  	[sflag:s16] =	ssyncadd.s32 $0xFFFFC000  }
0x92: {  	_ =	swait.ge [sflag:s16], $0x4000  }
0x93: {  	[sflag:s16] =	ssyncset.done $0x0  }
.LBB2_2:
0x94: {  	[sflag:s16] =	ssyncadd.s32 $0xFFFFC000  }
0x95: {  	_ =	sfence.sel $0x180000  }
0x96: {  	[bflag:$0x0] =	sbarrier.arrive $0xFFFF  }
0x97: {  	p0 =	sne.s32 s0, $0x0;
	_ =	strace $0x90000047  }
0x98: {  	s0 =	sadd.s32 @!p0 $0x100000, s1;
	[bflag:$0x2] =	sbarrier.arrive $0xFFFF  }
0x99: {  	[sflag:s0] =	ssyncadd.tile.s32 @!p0 $0x1;
	_ =	shalt  }
.Lfunc_end2:
_tile_overlayer_lowered:
.L_overlay_start_2:
0x9a: {  	(tag) =	ssettag $0x2  }
0x9b: {  	s0 =	rddreg [dreg:$0x0];
	s2 =	stileid.u32  }
0x9c: {  	s1 =	rddreg [dreg:$0x1];
	p0 =	sne.s32 s2, $0x0  }
0x9d: {  	s3 =	rddreg [dreg:$0x2];
	[bflag:$0x3] =	sbarrier.arrive $0xFFFF;
	s2 =	simm.s32 @!p0 $0x1C03  }
0x9e: {  	[timem:s3], [sflag:s2] =	dma.local @!p0 [hbm:s0], s1  }
0x9f: {  	s0 =	simm.s32 @!p0 $0x3  }
0xa0: {  	_ =	swait.ge @!p0 [sflag:s0], s1  }
0xa1: {  	s1 =	ssub.s32 @!p0 $0x0, s1;
	[sflag:s0] =	ssyncset.done @!p0 $0x0  }
0xa2: {  	[sflag:s0] =	ssyncadd.s32 @!p0 s1  }
0xa3: {  	[bflag:$0x3] =	sbarrier.arrive $0xFFFF  }
0xa4: {  	_ =	shalt  }

</sc_bundles>
